<compile_context>
chip_gen: v7x
topology: tpu7x:2x2x1
jax: 0.10.2.dev20260603
libtpu: 0.0.44.dev20260713+nightly
codegen_flags: <defaults>
</compile_context>

<pallas_src>
import functools

import jax
import jax.numpy as jnp
from jax import lax
from jax.experimental import pallas as pl
from jax.experimental.pallas import tpu as pltpu
from jax.experimental.pallas import tpu_sc as plsc

N = 8192
K = 8192
D = 256
L = 128
BN = 2048
CG = 1024
NI = N // BN
NG = K // CG
NJ = CG // L
LOSS_SCALE = 1.25 / (N * D)


def _c2_body(c_ref, c2_ref):
    c = c_ref[...]
    c2_ref[...] = jnp.sum(c * c, axis=1).reshape(K // L, L)


_c2_call = pl.pallas_call(
    _c2_body,
    out_shape=jax.ShapeDtypeStruct((K // L, L), jnp.float32),
)


def _argmin_body(x_ref, c_ref, c2_ref, minidx_ref, loss_ref):
    i = pl.program_id(0)
    x = x_ref[...]
    x2 = jnp.sum(x * x, axis=1, keepdims=True)
    x2b = jnp.broadcast_to(x2, (BN, L))
    xx = x + x
    lane = lax.broadcasted_iota(jnp.int32, (1, L), 1)

    cur = jnp.full((BN, L), jnp.inf, jnp.float32)
    curc = jnp.zeros((BN, L), jnp.int32)
    for g in range(NG):
        cg = c_ref[g * CG:(g + 1) * CG, :]
        xc2 = lax.dot_general(xx, cg, (((1,), (1,)), ((), ())),
                              preferred_element_type=jnp.float32)
        for j in range(NJ):
            dj = (x2b - xc2[:, j * L:(j + 1) * L]) + c2_ref[g * NJ + j][None, :]
            lt = dj < cur
            curc = jnp.where(lt, lane + (g * CG + j * L), curc)
            cur = jnp.minimum(dj, cur)

    bmin = jnp.min(cur, axis=1, keepdims=True)
    bidx = jnp.min(jnp.where(cur == bmin, curc, K), axis=1, keepdims=True)
    minidx_ref[...] = bidx.reshape(BN // L, L)
    s = jnp.sum(bmin).reshape(1, 1)

    @pl.when(i == 0)
    def _():
        loss_ref[...] = s

    @pl.when(i > 0)
    def _():
        loss_ref[...] = loss_ref[...] + s

    @pl.when(i == NI - 1)
    def _():
        loss_ref[...] = loss_ref[...] * LOSS_SCALE


_argmin_call = pl.pallas_call(
    _argmin_body,
    grid=(NI,),
    in_specs=[
        pl.BlockSpec((BN, D), lambda i: (i, 0)),
        pl.BlockSpec((K, D), lambda i: (0, 0)),
        pl.BlockSpec((K // L, L), lambda i: (0, 0)),
    ],
    out_specs=[
        pl.BlockSpec((BN // L, L), lambda i: (i, 0)),
        pl.BlockSpec((1, 1), lambda i: (0, 0)),
    ],
    out_shape=[
        jax.ShapeDtypeStruct((N // L, L), jnp.int32),
        jax.ShapeDtypeStruct((1, 1), jnp.float32),
    ],
)


@functools.cache
def _make_sc_gather():
    info = plsc.get_sparse_core_info()
    nw = info.num_cores * info.num_subcores
    b_per_w = N // nw
    mesh = plsc.VectorSubcoreMesh(core_axis_name="c", subcore_axis_name="s")

    @functools.partial(
        pl.kernel, mesh=mesh,
        out_type=jax.ShapeDtypeStruct((N, D), jnp.float32),
        scratch_types=[
            pltpu.VMEM((b_per_w,), jnp.int32),
            pltpu.VMEM((b_per_w, D), jnp.float32),
            pltpu.SemaphoreType.DMA,
        ],
    )
    def gather(table_hbm, idx_hbm, out_hbm, idx_v, rows_v, sem):
        wid = lax.axis_index("s") * info.num_cores + lax.axis_index("c")
        base = wid * b_per_w
        pltpu.sync_copy(idx_hbm.at[pl.ds(base, b_per_w)], idx_v)
        pltpu.async_copy(table_hbm.at[idx_v], rows_v, sem).wait()
        pltpu.sync_copy(rows_v, out_hbm.at[pl.ds(base, b_per_w)])

    return gather


def kernel(inputs, codebook):
    flat = inputs.reshape(N, D)
    c2 = _c2_call(codebook)
    minidx, loss = _argmin_call(flat, codebook, c2)
    quantized = _make_sc_gather()(codebook, minidx.reshape(N))
    return quantized.reshape(inputs.shape), loss.reshape(())

# --- scband reference (transcript-rebuilt; emitter-appended) ---
"""Pipeline reference for scband-vector-quantizer-16475494548012 (READ-ONLY COPY).

The authoritative reference and input builder live on the scoring server;
editing this copy changes nothing except your own understanding.
"""

import jax, jax.numpy as jnp
import numpy as np

NUM_VECTORS = 8192
VECTOR_DIM = 256
COMMITMENT_COST = 0.25


def setup_inputs(seed: int = 0) -> dict:
    key = jax.random.key(seed)
    k1, k2 = jax.random.split(key)
    inputs = jax.random.normal(k1, (8, 1024, 256), dtype=jnp.float32)
    codebook = jax.random.normal(k2, (NUM_VECTORS, VECTOR_DIM), dtype=jnp.float32) * 0.02
    return {"inputs": inputs, "codebook": codebook}


def reference(inputs, codebook):
    input_shape = inputs.shape
    flat_inputs = inputs.reshape(-1, VECTOR_DIM)
    # Euclidean (squared) distance metric: [N, K]
    distances = (
        jnp.sum(flat_inputs ** 2, axis=1, keepdims=True)
        - 2.0 * flat_inputs @ codebook.T
        + jnp.sum(codebook ** 2, axis=1)[None, :]
    )
    # VectorEncoder: argmin + one-hot encodings
    encoding_indices = jnp.argmin(distances, axis=1)
    encodings = jax.nn.one_hot(encoding_indices, NUM_VECTORS, dtype=flat_inputs.dtype)
    # QuantizationLayer: one-hot matmul selects codebook rows
    quantized = (encodings @ codebook).reshape(input_shape)
    # VQLoss: codebook loss + commitment loss
    e_latent_loss = jnp.mean((jax.lax.stop_gradient(quantized) - inputs) ** 2)
    q_latent_loss = jnp.mean((quantized - jax.lax.stop_gradient(inputs)) ** 2)
    loss = q_latent_loss + COMMITMENT_COST * e_latent_loss
    # StraightThroughEstimator
    quantized_ste = inputs + jax.lax.stop_gradient(quantized - inputs)
    return (quantized_ste, loss)

if __name__ == "__main__":
    import jax
    _d = setup_inputs()
    print(jax.jit(kernel)(*tuple(_d.values())))

</pallas_src>

<mosaic_0001>
#map = affine_map<(d0, d1) -> (0, 0)>
#map1 = affine_map<(d0, d1) -> (0)>
module attributes {stable_mosaic.version = 14 : i64} {
  func.func @gather(%arg0: i32, %arg1: i32, %arg2: memref<8192x256xf32, #tpu.memory_space<hbm>>, %arg3: memref<8192xi32, #tpu.memory_space<hbm>>, %arg4: memref<8192x256xf32, #tpu.memory_space<hbm>>, %arg5: memref<256xi32, #tpu.memory_space<vmem>>, %arg6: memref<256x256xf32, #tpu.memory_space<vmem>>, %arg7: memref<!tpu.dma_semaphore, #tpu.memory_space<semaphore_mem>>) attributes {dimension_semantics = [#tpu.dimension_semantics<core_parallel>, #tpu.dimension_semantics<subcore_parallel>], iteration_bounds = array<i64: 2, 16>, scalar_prefetch = 0 : i64, scratch_operands = 3 : i64, tpu.core_type = #tpu.core_type<sc_vector_subcore>, window_params = [{transform_indices = #map}, {transform_indices = #map1}, {transform_indices = #map}]} {
    %mul3A = arith.constant 2 : i32
    %mul3A_0 = arith.muli %arg1, %mul3A : i32
    %add3A = arith.addi %mul3A_0, %arg0 : i32
    %mul3A_1 = arith.constant 256 : i32
    %mul3A_2 = arith.muli %add3A, %mul3A_1 : i32
    "tpu.region"() ({
      %run_scoped3A = tpu.sem_alloc : memref<!tpu.dma_semaphore, #tpu.memory_space<semaphore_mem>>
      %dma_start3A_7 = tpu.memref_slice %arg3[%mul3A_2] : memref<8192xi32, #tpu.memory_space<hbm>> -> memref<256xi32, #tpu.memory_space<hbm>>
      %dma_start3A_8 = tpu.memref_slice %arg3[%mul3A_2] : memref<8192xi32, #tpu.memory_space<hbm>> -> memref<256xi32, #tpu.memory_space<hbm>>
      tpu.enqueue_dma source(%dma_start3A_8 : memref<256xi32, #tpu.memory_space<hbm>>) target(%arg5 : memref<256xi32, #tpu.memory_space<vmem>>) target_semaphore(%run_scoped3A : memref<!tpu.dma_semaphore, #tpu.memory_space<semaphore_mem>>)
      %dma_wait3A_9 = tpu.memref_slice %arg3[%mul3A_2] : memref<8192xi32, #tpu.memory_space<hbm>> -> memref<256xi32, #tpu.memory_space<hbm>>
      %dma_wait3A_10 = tpu.memref_slice %arg3[%mul3A_2] : memref<8192xi32, #tpu.memory_space<hbm>> -> memref<256xi32, #tpu.memory_space<hbm>>
      tpu.wait_dma2 semaphore(%run_scoped3A : memref<!tpu.dma_semaphore, #tpu.memory_space<semaphore_mem>>) src(%dma_wait3A_10 : memref<256xi32, #tpu.memory_space<hbm>>) dst(%arg5 : memref<256xi32, #tpu.memory_space<vmem>>)
      tpu.yield
    }) : () -> ()
    %dma_start3A = arith.constant 0 : i32
    %dma_start3A_3 = arith.constant 0 : i32
    %dma_start3A_4 = tpu.memref_slice %arg2[%dma_start3A, %dma_start3A_3] : memref<8192x256xf32, #tpu.memory_space<hbm>> -> memref<8192x256xf32, #tpu.memory_space<hbm>>
    tpu.enqueue_indirect_dma source(%dma_start3A_4 : memref<8192x256xf32, #tpu.memory_space<hbm>>) target(%arg6 : memref<256x256xf32, #tpu.memory_space<vmem>>) offsets(%arg5 : memref<256xi32, #tpu.memory_space<vmem>>) semaphore(%arg7 : memref<!tpu.dma_semaphore, #tpu.memory_space<semaphore_mem>>)
    %dma_wait3A = arith.constant 0 : i32
    %dma_wait3A_5 = arith.constant 0 : i32
    %dma_wait3A_6 = tpu.memref_slice %arg2[%dma_wait3A, %dma_wait3A_5] : memref<8192x256xf32, #tpu.memory_space<hbm>> -> memref<8192x256xf32, #tpu.memory_space<hbm>>
    tpu.wait_indirect_dma semaphore(%arg7 : memref<!tpu.dma_semaphore, #tpu.memory_space<semaphore_mem>>) src(%dma_wait3A_6 : memref<8192x256xf32, #tpu.memory_space<hbm>>) dst(%arg6 : memref<256x256xf32, #tpu.memory_space<vmem>>)
    "tpu.region"() ({
      %run_scoped3A = tpu.sem_alloc : memref<!tpu.dma_semaphore, #tpu.memory_space<semaphore_mem>>
      %dma_start3A_7 = arith.constant 0 : i32
      %dma_start3A_8 = tpu.memref_slice %arg4[%mul3A_2, %dma_start3A_7] : memref<8192x256xf32, #tpu.memory_space<hbm>> -> memref<256x256xf32, #tpu.memory_space<hbm>>
      %dma_start3A_9 = arith.constant 0 : i32
      %dma_start3A_10 = tpu.memref_slice %arg4[%mul3A_2, %dma_start3A_9] : memref<8192x256xf32, #tpu.memory_space<hbm>> -> memref<256x256xf32, #tpu.memory_space<hbm>>
      tpu.enqueue_dma source(%arg6 : memref<256x256xf32, #tpu.memory_space<vmem>>) target(%dma_start3A_10 : memref<256x256xf32, #tpu.memory_space<hbm>>) target_semaphore(%run_scoped3A : memref<!tpu.dma_semaphore, #tpu.memory_space<semaphore_mem>>)
      %dma_wait3A_11 = arith.constant 0 : i32
      %dma_wait3A_12 = tpu.memref_slice %arg4[%mul3A_2, %dma_wait3A_11] : memref<8192x256xf32, #tpu.memory_space<hbm>> -> memref<256x256xf32, #tpu.memory_space<hbm>>
      %dma_wait3A_13 = arith.constant 0 : i32
      %dma_wait3A_14 = tpu.memref_slice %arg4[%mul3A_2, %dma_wait3A_13] : memref<8192x256xf32, #tpu.memory_space<hbm>> -> memref<256x256xf32, #tpu.memory_space<hbm>>
      tpu.wait_dma2 semaphore(%run_scoped3A : memref<!tpu.dma_semaphore, #tpu.memory_space<semaphore_mem>>) src(%arg6 : memref<256x256xf32, #tpu.memory_space<vmem>>) dst(%dma_wait3A_14 : memref<256x256xf32, #tpu.memory_space<hbm>>)
      tpu.yield
    }) : () -> ()
    return
  }
}

module attributes {stable_mosaic.version = 14 : i64} {
  func.func @_c2_body(%arg0: memref<8192x256xf32, #tpu.memory_space<vmem>>, %arg1: memref<64x128xf32, #tpu.memory_space<vmem>>) attributes {dimension_semantics = [], scalar_prefetch = 0 : i64, scratch_operands = 0 : i64, tpu.core_type = #tpu.core_type<tc>} {
    %get3A = arith.constant 0 : index
    %get3A_0 = arith.constant 0 : index
    %get3A_1 = vector.load %arg0[%get3A, %get3A_0] : memref<8192x256xf32, #tpu.memory_space<vmem>>, vector<8192x256xf32>
    %mul3A = arith.mulf %get3A_1, %get3A_1 : vector<8192x256xf32>
    %reduce_sum3A = arith.constant dense<0.000000e+00> : vector<8192xf32>
    %reduce_sum3A_2 = vector.multi_reduction <add>, %mul3A, %reduce_sum3A [1] : vector<8192x256xf32> to vector<8192xf32>
    %reshape3A = vector.shape_cast %reduce_sum3A_2 : vector<8192xf32> to vector<64x128xf32>
    %swap3A = arith.constant 0 : index
    %swap3A_3 = arith.constant 0 : index
    %swap3A_4 = vector.load %arg1[%swap3A, %swap3A_3] : memref<64x128xf32, #tpu.memory_space<vmem>>, vector<64x128xf32>
    tpu.vector_store %arg1[%swap3A, %swap3A_3], %reshape3A {strides = array<i32>} : memref<64x128xf32, #tpu.memory_space<vmem>>, vector<64x128xf32>,
    return
  }
}

module attributes {stable_mosaic.version = 14 : i64} {
  func.func @_argmin_body(%arg0: i32, %arg1: memref<2048x256xf32, #tpu.memory_space<vmem>>, %arg2: memref<8192x256xf32, #tpu.memory_space<vmem>>, %arg3: memref<64x128xf32, #tpu.memory_space<vmem>>, %arg4: memref<16x128xi32, #tpu.memory_space<vmem>>, %arg5: memref<1x1xf32, #tpu.memory_space<vmem>>) attributes {dimension_semantics = [#tpu.dimension_semantics<arbitrary>], iteration_bounds = array<i64: 4>, scalar_prefetch = 0 : i64, scratch_operands = 0 : i64, tpu.core_type = #tpu.core_type<tc>, window_params = [{transform_indices = @transform_0, window_bounds = array<i64: 2048, 256>}, {pipeline_mode = #tpu.pipeline_mode<synchronous>, transform_indices = @transform_1, window_bounds = array<i64: 8192, 256>}, {pipeline_mode = #tpu.pipeline_mode<synchronous>, transform_indices = @transform_2, window_bounds = array<i64: 64, 128>}, {transform_indices = @transform_3, window_bounds = array<i64: 16, 128>}, {pipeline_mode = #tpu.pipeline_mode<synchronous>, transform_indices = @transform_4, window_bounds = array<i64: 1, 1>}]} {
    %get3A = arith.constant 0 : index
    %get3A_0 = arith.constant 0 : index
    %get3A_1 = vector.load %arg1[%get3A, %get3A_0] : memref<2048x256xf32, #tpu.memory_space<vmem>>, vector<2048x256xf32>
    %mul3A = arith.mulf %get3A_1, %get3A_1 : vector<2048x256xf32>
    %reduce_sum3A = arith.constant dense<0.000000e+00> : vector<2048xf32>
    %reduce_sum3A_2 = vector.multi_reduction <add>, %mul3A, %reduce_sum3A [1] : vector<2048x256xf32> to vector<2048xf32>
    %broadcast_in_dim3A = vector.shape_cast %reduce_sum3A_2 : vector<2048xf32> to vector<2048x1xf32>
    %broadcast_in_dim3A_3 = vector.shape_cast %broadcast_in_dim3A : vector<2048x1xf32> to vector<2048x1xf32>
    %broadcast_in_dim3A_4 = vector.broadcast %broadcast_in_dim3A_3 : vector<2048x1xf32> to vector<2048x128xf32>
    %add3A = arith.addf %get3A_1, %get3A_1 : vector<2048x256xf32>
    %iota3A = tpu.iota {dimensions = array<i32: 1>} : vector<1x128xi32>
    %broadcast_in_dim3A_5 = arith.constant 0x7F800000 : f32
    %broadcast_in_dim3A_6 = vector.broadcast %broadcast_in_dim3A_5 : f32 to vector<2048x128xf32>
    %broadcast_in_dim3A_7 = arith.constant 0 : i32
    %broadcast_in_dim3A_8 = vector.broadcast %broadcast_in_dim3A_7 : i32 to vector<2048x128xi32>
    %get3A_9 = arith.constant 0 : index
    %get3A_10 = arith.constant 0 : index
    %get3A_11 = vector.load %arg2[%get3A_9, %get3A_10] : memref<8192x256xf32, #tpu.memory_space<vmem>>, vector<1024x256xf32>
    %dot_general3A = arith.constant dense<0.000000e+00> : vector<2048x1024xf32>
    %dot_general3A_12 = tpu.matmul %add3A, %get3A_11, %dot_general3A {dimension_numbers = #tpu.dot_dimension_numbers<[1], [1], [0], [0], [0, 0, 1, 0], [], []>, transpose_lhs_hint = false} : vector<2048x256xf32>, vector<1024x256xf32>, vector<2048x1024xf32> -> vector<2048x1024xf32>
    %slice3A = vector.extract_strided_slice %dot_general3A_12 {offsets = [0, 0], sizes = [2048, 128], strides = [1, 1]} : vector<2048x1024xf32> to vector<2048x128xf32>
    %sub3A = arith.subf %broadcast_in_dim3A_4, %slice3A : vector<2048x128xf32>
    %get3A_13 = arith.constant 0 : index
    %get3A_14 = arith.constant 0 : index
    %get3A_15 = vector.load %arg3[%get3A_13, %get3A_14] : memref<64x128xf32, #tpu.memory_space<vmem>>, vector<1x128xf32>
    %get3A_16 = vector.shape_cast %get3A_15 : vector<1x128xf32> to vector<128xf32>
    %broadcast_in_dim3A_17 = vector.shape_cast %get3A_16 : vector<128xf32> to vector<1x128xf32>
    %add3A_18 = vector.broadcast %broadcast_in_dim3A_17 : vector<1x128xf32> to vector<2048x128xf32>
    %add3A_19 = arith.addf %sub3A, %add3A_18 : vector<2048x128xf32>
    %lt3A = arith.cmpf olt, %add3A_19, %broadcast_in_dim3A_6 : vector<2048x128xf32>
    %add3A_20 = arith.constant 0 : i32
    %add3A_21 = vector.broadcast %add3A_20 : i32 to vector<1x128xi32>
    %add3A_22 = arith.addi %iota3A, %add3A_21 : vector<1x128xi32>
    %broadcast_in_dim3A_23 = vector.shape_cast %add3A_22 : vector<1x128xi32> to vector<1x128xi32>
    %broadcast_in_dim3A_24 = vector.broadcast %broadcast_in_dim3A_23 : vector<1x128xi32> to vector<2048x128xi32>
    %select_n3A = arith.select %lt3A, %broadcast_in_dim3A_24, %broadcast_in_dim3A_8 : vector<2048x128xi1>, vector<2048x128xi32>
    %min3A = arith.minimumf %add3A_19, %broadcast_in_dim3A_6 : vector<2048x128xf32>
    %slice3A_25 = vector.extract_strided_slice %dot_general3A_12 {offsets = [0, 128], sizes = [2048, 128], strides = [1, 1]} : vector<2048x1024xf32> to vector<2048x128xf32>
    %sub3A_26 = arith.subf %broadcast_in_dim3A_4, %slice3A_25 : vector<2048x128xf32>
    %get3A_27 = arith.constant 1 : index
    %get3A_28 = arith.constant 0 : index
    %get3A_29 = vector.load %arg3[%get3A_27, %get3A_28] : memref<64x128xf32, #tpu.memory_space<vmem>>, vector<1x128xf32>
    %get3A_30 = vector.shape_cast %get3A_29 : vector<1x128xf32> to vector<128xf32>
    %broadcast_in_dim3A_31 = vector.shape_cast %get3A_30 : vector<128xf32> to vector<1x128xf32>
    %add3A_32 = vector.broadcast %broadcast_in_dim3A_31 : vector<1x128xf32> to vector<2048x128xf32>
    %add3A_33 = arith.addf %sub3A_26, %add3A_32 : vector<2048x128xf32>
    %lt3A_34 = arith.cmpf olt, %add3A_33, %min3A : vector<2048x128xf32>
    %add3A_35 = arith.constant 128 : i32
    %add3A_36 = vector.broadcast %add3A_35 : i32 to vector<1x128xi32>
    %add3A_37 = arith.addi %iota3A, %add3A_36 : vector<1x128xi32>
    %broadcast_in_dim3A_38 = vector.shape_cast %add3A_37 : vector<1x128xi32> to vector<1x128xi32>
    %broadcast_in_dim3A_39 = vector.broadcast %broadcast_in_dim3A_38 : vector<1x128xi32> to vector<2048x128xi32>
    %select_n3A_40 = arith.select %lt3A_34, %broadcast_in_dim3A_39, %select_n3A : vector<2048x128xi1>, vector<2048x128xi32>
    %min3A_41 = arith.minimumf %add3A_33, %min3A : vector<2048x128xf32>
    %slice3A_42 = vector.extract_strided_slice %dot_general3A_12 {offsets = [0, 256], sizes = [2048, 128], strides = [1, 1]} : vector<2048x1024xf32> to vector<2048x128xf32>
    %sub3A_43 = arith.subf %broadcast_in_dim3A_4, %slice3A_42 : vector<2048x128xf32>
    %get3A_44 = arith.constant 2 : index
    %get3A_45 = arith.constant 0 : index
    %get3A_46 = vector.load %arg3[%get3A_44, %get3A_45] : memref<64x128xf32, #tpu.memory_space<vmem>>, vector<1x128xf32>
    %get3A_47 = vector.shape_cast %get3A_46 : vector<1x128xf32> to vector<128xf32>
    %broadcast_in_dim3A_48 = vector.shape_cast %get3A_47 : vector<128xf32> to vector<1x128xf32>
    %add3A_49 = vector.broadcast %broadcast_in_dim3A_48 : vector<1x128xf32> to vector<2048x128xf32>
    %add3A_50 = arith.addf %sub3A_43, %add3A_49 : vector<2048x128xf32>
    %lt3A_51 = arith.cmpf olt, %add3A_50, %min3A_41 : vector<2048x128xf32>
    %add3A_52 = arith.constant 256 : i32
    %add3A_53 = vector.broadcast %add3A_52 : i32 to vector<1x128xi32>
    %add3A_54 = arith.addi %iota3A, %add3A_53 : vector<1x128xi32>
    %broadcast_in_dim3A_55 = vector.shape_cast %add3A_54 : vector<1x128xi32> to vector<1x128xi32>
    %broadcast_in_dim3A_56 = vector.broadcast %broadcast_in_dim3A_55 : vector<1x128xi32> to vector<2048x128xi32>
    %select_n3A_57 = arith.select %lt3A_51, %broadcast_in_dim3A_56, %select_n3A_40 : vector<2048x128xi1>, vector<2048x128xi32>
    %min3A_58 = arith.minimumf %add3A_50, %min3A_41 : vector<2048x128xf32>
    %slice3A_59 = vector.extract_strided_slice %dot_general3A_12 {offsets = [0, 384], sizes = [2048, 128], strides = [1, 1]} : vector<2048x1024xf32> to vector<2048x128xf32>
    %sub3A_60 = arith.subf %broadcast_in_dim3A_4, %slice3A_59 : vector<2048x128xf32>
    %get3A_61 = arith.constant 3 : index
    %get3A_62 = arith.constant 0 : index
    %get3A_63 = vector.load %arg3[%get3A_61, %get3A_62] : memref<64x128xf32, #tpu.memory_space<vmem>>, vector<1x128xf32>
    %get3A_64 = vector.shape_cast %get3A_63 : vector<1x128xf32> to vector<128xf32>
    %broadcast_in_dim3A_65 = vector.shape_cast %get3A_64 : vector<128xf32> to vector<1x128xf32>
    %add3A_66 = vector.broadcast %broadcast_in_dim3A_65 : vector<1x128xf32> to vector<2048x128xf32>
    %add3A_67 = arith.addf %sub3A_60, %add3A_66 : vector<2048x128xf32>
    %lt3A_68 = arith.cmpf olt, %add3A_67, %min3A_58 : vector<2048x128xf32>
    %add3A_69 = arith.constant 384 : i32
    %add3A_70 = vector.broadcast %add3A_69 : i32 to vector<1x128xi32>
    %add3A_71 = arith.addi %iota3A, %add3A_70 : vector<1x128xi32>
    %broadcast_in_dim3A_72 = vector.shape_cast %add3A_71 : vector<1x128xi32> to vector<1x128xi32>
    %broadcast_in_dim3A_73 = vector.broadcast %broadcast_in_dim3A_72 : vector<1x128xi32> to vector<2048x128xi32>
    %select_n3A_74 = arith.select %lt3A_68, %broadcast_in_dim3A_73, %select_n3A_57 : vector<2048x128xi1>, vector<2048x128xi32>
    %min3A_75 = arith.minimumf %add3A_67, %min3A_58 : vector<2048x128xf32>
    %slice3A_76 = vector.extract_strided_slice %dot_general3A_12 {offsets = [0, 512], sizes = [2048, 128], strides = [1, 1]} : vector<2048x1024xf32> to vector<2048x128xf32>
    %sub3A_77 = arith.subf %broadcast_in_dim3A_4, %slice3A_76 : vector<2048x128xf32>
    %get3A_78 = arith.constant 4 : index
    %get3A_79 = arith.constant 0 : index
    %get3A_80 = vector.load %arg3[%get3A_78, %get3A_79] : memref<64x128xf32, #tpu.memory_space<vmem>>, vector<1x128xf32>
    %get3A_81 = vector.shape_cast %get3A_80 : vector<1x128xf32> to vector<128xf32>
    %broadcast_in_dim3A_82 = vector.shape_cast %get3A_81 : vector<128xf32> to vector<1x128xf32>
    %add3A_83 = vector.broadcast %broadcast_in_dim3A_82 : vector<1x128xf32> to vector<2048x128xf32>
    %add3A_84 = arith.addf %sub3A_77, %add3A_83 : vector<2048x128xf32>
    %lt3A_85 = arith.cmpf olt, %add3A_84, %min3A_75 : vector<2048x128xf32>
    %add3A_86 = arith.constant 512 : i32
    %add3A_87 = vector.broadcast %add3A_86 : i32 to vector<1x128xi32>
    %add3A_88 = arith.addi %iota3A, %add3A_87 : vector<1x128xi32>
    %broadcast_in_dim3A_89 = vector.shape_cast %add3A_88 : vector<1x128xi32> to vector<1x128xi32>
    %broadcast_in_dim3A_90 = vector.broadcast %broadcast_in_dim3A_89 : vector<1x128xi32> to vector<2048x128xi32>
    %select_n3A_91 = arith.select %lt3A_85, %broadcast_in_dim3A_90, %select_n3A_74 : vector<2048x128xi1>, vector<2048x128xi32>
    %min3A_92 = arith.minimumf %add3A_84, %min3A_75 : vector<2048x128xf32>
    %slice3A_93 = vector.extract_strided_slice %dot_general3A_12 {offsets = [0, 640], sizes = [2048, 128], strides = [1, 1]} : vector<2048x1024xf32> to vector<2048x128xf32>
    %sub3A_94 = arith.subf %broadcast_in_dim3A_4, %slice3A_93 : vector<2048x128xf32>
    %get3A_95 = arith.constant 5 : index
    %get3A_96 = arith.constant 0 : index
    %get3A_97 = vector.load %arg3[%get3A_95, %get3A_96] : memref<64x128xf32, #tpu.memory_space<vmem>>, vector<1x128xf32>
    %get3A_98 = vector.shape_cast %get3A_97 : vector<1x128xf32> to vector<128xf32>
    %broadcast_in_dim3A_99 = vector.shape_cast %get3A_98 : vector<128xf32> to vector<1x128xf32>
    %add3A_100 = vector.broadcast %broadcast_in_dim3A_99 : vector<1x128xf32> to vector<2048x128xf32>
    %add3A_101 = arith.addf %sub3A_94, %add3A_100 : vector<2048x128xf32>
    %lt3A_102 = arith.cmpf olt, %add3A_101, %min3A_92 : vector<2048x128xf32>
    %add3A_103 = arith.constant 640 : i32
    %add3A_104 = vector.broadcast %add3A_103 : i32 to vector<1x128xi32>
    %add3A_105 = arith.addi %iota3A, %add3A_104 : vector<1x128xi32>
    %broadcast_in_dim3A_106 = vector.shape_cast %add3A_105 : vector<1x128xi32> to vector<1x128xi32>
    %broadcast_in_dim3A_107 = vector.broadcast %broadcast_in_dim3A_106 : vector<1x128xi32> to vector<2048x128xi32>
    %select_n3A_108 = arith.select %lt3A_102, %broadcast_in_dim3A_107, %select_n3A_91 : vector<2048x128xi1>, vector<2048x128xi32>
    %min3A_109 = arith.minimumf %add3A_101, %min3A_92 : vector<2048x128xf32>
    %slice3A_110 = vector.extract_strided_slice %dot_general3A_12 {offsets = [0, 768], sizes = [2048, 128], strides = [1, 1]} : vector<2048x1024xf32> to vector<2048x128xf32>
    %sub3A_111 = arith.subf %broadcast_in_dim3A_4, %slice3A_110 : vector<2048x128xf32>
    %get3A_112 = arith.constant 6 : index
    %get3A_113 = arith.constant 0 : index
    %get3A_114 = vector.load %arg3[%get3A_112, %get3A_113] : memref<64x128xf32, #tpu.memory_space<vmem>>, vector<1x128xf32>
    %get3A_115 = vector.shape_cast %get3A_114 : vector<1x128xf32> to vector<128xf32>
    %broadcast_in_dim3A_116 = vector.shape_cast %get3A_115 : vector<128xf32> to vector<1x128xf32>
    %add3A_117 = vector.broadcast %broadcast_in_dim3A_116 : vector<1x128xf32> to vector<2048x128xf32>
    %add3A_118 = arith.addf %sub3A_111, %add3A_117 : vector<2048x128xf32>
    %lt3A_119 = arith.cmpf olt, %add3A_118, %min3A_109 : vector<2048x128xf32>
    %add3A_120 = arith.constant 768 : i32
    %add3A_121 = vector.broadcast %add3A_120 : i32 to vector<1x128xi32>
    %add3A_122 = arith.addi %iota3A, %add3A_121 : vector<1x128xi32>
    %broadcast_in_dim3A_123 = vector.shape_cast %add3A_122 : vector<1x128xi32> to vector<1x128xi32>
    %broadcast_in_dim3A_124 = vector.broadcast %broadcast_in_dim3A_123 : vector<1x128xi32> to vector<2048x128xi32>
    %select_n3A_125 = arith.select %lt3A_119, %broadcast_in_dim3A_124, %select_n3A_108 : vector<2048x128xi1>, vector<2048x128xi32>
    %min3A_126 = arith.minimumf %add3A_118, %min3A_109 : vector<2048x128xf32>
    %slice3A_127 = vector.extract_strided_slice %dot_general3A_12 {offsets = [0, 896], sizes = [2048, 128], strides = [1, 1]} : vector<2048x1024xf32> to vector<2048x128xf32>
    %sub3A_128 = arith.subf %broadcast_in_dim3A_4, %slice3A_127 : vector<2048x128xf32>
    %get3A_129 = arith.constant 7 : index
    %get3A_130 = arith.constant 0 : index
    %get3A_131 = vector.load %arg3[%get3A_129, %get3A_130] : memref<64x128xf32, #tpu.memory_space<vmem>>, vector<1x128xf32>
    %get3A_132 = vector.shape_cast %get3A_131 : vector<1x128xf32> to vector<128xf32>
    %broadcast_in_dim3A_133 = vector.shape_cast %get3A_132 : vector<128xf32> to vector<1x128xf32>
    %add3A_134 = vector.broadcast %broadcast_in_dim3A_133 : vector<1x128xf32> to vector<2048x128xf32>
    %add3A_135 = arith.addf %sub3A_128, %add3A_134 : vector<2048x128xf32>
    %lt3A_136 = arith.cmpf olt, %add3A_135, %min3A_126 : vector<2048x128xf32>
    %add3A_137 = arith.constant 896 : i32
    %add3A_138 = vector.broadcast %add3A_137 : i32 to vector<1x128xi32>
    %add3A_139 = arith.addi %iota3A, %add3A_138 : vector<1x128xi32>
    %broadcast_in_dim3A_140 = vector.shape_cast %add3A_139 : vector<1x128xi32> to vector<1x128xi32>
    %broadcast_in_dim3A_141 = vector.broadcast %broadcast_in_dim3A_140 : vector<1x128xi32> to vector<2048x128xi32>
    %select_n3A_142 = arith.select %lt3A_136, %broadcast_in_dim3A_141, %select_n3A_125 : vector<2048x128xi1>, vector<2048x128xi32>
    %min3A_143 = arith.minimumf %add3A_135, %min3A_126 : vector<2048x128xf32>
    %get3A_144 = arith.constant 1024 : index
    %get3A_145 = arith.constant 0 : index
    %get3A_146 = vector.load %arg2[%get3A_144, %get3A_145] : memref<8192x256xf32, #tpu.memory_space<vmem>>, vector<1024x256xf32>
    %dot_general3A_147 = arith.constant dense<0.000000e+00> : vector<2048x1024xf32>
    %dot_general3A_148 = tpu.matmul %add3A, %get3A_146, %dot_general3A_147 {dimension_numbers = #tpu.dot_dimension_numbers<[1], [1], [0], [0], [0, 0, 1, 0], [], []>, transpose_lhs_hint = false} : vector<2048x256xf32>, vector<1024x256xf32>, vector<2048x1024xf32> -> vector<2048x1024xf32>
    %slice3A_149 = vector.extract_strided_slice %dot_general3A_148 {offsets = [0, 0], sizes = [2048, 128], strides = [1, 1]} : vector<2048x1024xf32> to vector<2048x128xf32>
    %sub3A_150 = arith.subf %broadcast_in_dim3A_4, %slice3A_149 : vector<2048x128xf32>
    %get3A_151 = arith.constant 8 : index
    %get3A_152 = arith.constant 0 : index
    %get3A_153 = vector.load %arg3[%get3A_151, %get3A_152] : memref<64x128xf32, #tpu.memory_space<vmem>>, vector<1x128xf32>
    %get3A_154 = vector.shape_cast %get3A_153 : vector<1x128xf32> to vector<128xf32>
    %broadcast_in_dim3A_155 = vector.shape_cast %get3A_154 : vector<128xf32> to vector<1x128xf32>
    %add3A_156 = vector.broadcast %broadcast_in_dim3A_155 : vector<1x128xf32> to vector<2048x128xf32>
    %add3A_157 = arith.addf %sub3A_150, %add3A_156 : vector<2048x128xf32>
    %lt3A_158 = arith.cmpf olt, %add3A_157, %min3A_143 : vector<2048x128xf32>
    %add3A_159 = arith.constant 1024 : i32
    %add3A_160 = vector.broadcast %add3A_159 : i32 to vector<1x128xi32>
    %add3A_161 = arith.addi %iota3A, %add3A_160 : vector<1x128xi32>
    %broadcast_in_dim3A_162 = vector.shape_cast %add3A_161 : vector<1x128xi32> to vector<1x128xi32>
    %broadcast_in_dim3A_163 = vector.broadcast %broadcast_in_dim3A_162 : vector<1x128xi32> to vector<2048x128xi32>
    %select_n3A_164 = arith.select %lt3A_158, %broadcast_in_dim3A_163, %select_n3A_142 : vector<2048x128xi1>, vector<2048x128xi32>
    %min3A_165 = arith.minimumf %add3A_157, %min3A_143 : vector<2048x128xf32>
    %slice3A_166 = vector.extract_strided_slice %dot_general3A_148 {offsets = [0, 128], sizes = [2048, 128], strides = [1, 1]} : vector<2048x1024xf32> to vector<2048x128xf32>
    %sub3A_167 = arith.subf %broadcast_in_dim3A_4, %slice3A_166 : vector<2048x128xf32>
    %get3A_168 = arith.constant 9 : index
    %get3A_169 = arith.constant 0 : index
    %get3A_170 = vector.load %arg3[%get3A_168, %get3A_169] : memref<64x128xf32, #tpu.memory_space<vmem>>, vector<1x128xf32>
    %get3A_171 = vector.shape_cast %get3A_170 : vector<1x128xf32> to vector<128xf32>
    %broadcast_in_dim3A_172 = vector.shape_cast %get3A_171 : vector<128xf32> to vector<1x128xf32>
    %add3A_173 = vector.broadcast %broadcast_in_dim3A_172 : vector<1x128xf32> to vector<2048x128xf32>
    %add3A_174 = arith.addf %sub3A_167, %add3A_173 : vector<2048x128xf32>
    %lt3A_175 = arith.cmpf olt, %add3A_174, %min3A_165 : vector<2048x128xf32>
    %add3A_176 = arith.constant 1152 : i32
    %add3A_177 = vector.broadcast %add3A_176 : i32 to vector<1x128xi32>
    %add3A_178 = arith.addi %iota3A, %add3A_177 : vector<1x128xi32>
    %broadcast_in_dim3A_179 = vector.shape_cast %add3A_178 : vector<1x128xi32> to vector<1x128xi32>
    %broadcast_in_dim3A_180 = vector.broadcast %broadcast_in_dim3A_179 : vector<1x128xi32> to vector<2048x128xi32>
    %select_n3A_181 = arith.select %lt3A_175, %broadcast_in_dim3A_180, %select_n3A_164 : vector<2048x128xi1>, vector<2048x128xi32>
    %min3A_182 = arith.minimumf %add3A_174, %min3A_165 : vector<2048x128xf32>
    %slice3A_183 = vector.extract_strided_slice %dot_general3A_148 {offsets = [0, 256], sizes = [2048, 128], strides = [1, 1]} : vector<2048x1024xf32> to vector<2048x128xf32>
    %sub3A_184 = arith.subf %broadcast_in_dim3A_4, %slice3A_183 : vector<2048x128xf32>
    %get3A_185 = arith.constant 10 : index
    %get3A_186 = arith.constant 0 : index
    %get3A_187 = vector.load %arg3[%get3A_185, %get3A_186] : memref<64x128xf32, #tpu.memory_space<vmem>>, vector<1x128xf32>
    %get3A_188 = vector.shape_cast %get3A_187 : vector<1x128xf32> to vector<128xf32>
    %broadcast_in_dim3A_189 = vector.shape_cast %get3A_188 : vector<128xf32> to vector<1x128xf32>
    %add3A_190 = vector.broadcast %broadcast_in_dim3A_189 : vector<1x128xf32> to vector<2048x128xf32>
    %add3A_191 = arith.addf %sub3A_184, %add3A_190 : vector<2048x128xf32>
    %lt3A_192 = arith.cmpf olt, %add3A_191, %min3A_182 : vector<2048x128xf32>
    %add3A_193 = arith.constant 1280 : i32
    %add3A_194 = vector.broadcast %add3A_193 : i32 to vector<1x128xi32>
    %add3A_195 = arith.addi %iota3A, %add3A_194 : vector<1x128xi32>
    %broadcast_in_dim3A_196 = vector.shape_cast %add3A_195 : vector<1x128xi32> to vector<1x128xi32>
    %broadcast_in_dim3A_197 = vector.broadcast %broadcast_in_dim3A_196 : vector<1x128xi32> to vector<2048x128xi32>
    %select_n3A_198 = arith.select %lt3A_192, %broadcast_in_dim3A_197, %select_n3A_181 : vector<2048x128xi1>, vector<2048x128xi32>
    %min3A_199 = arith.minimumf %add3A_191, %min3A_182 : vector<2048x128xf32>
    %slice3A_200 = vector.extract_strided_slice %dot_general3A_148 {offsets = [0, 384], sizes = [2048, 128], strides = [1, 1]} : vector<2048x1024xf32> to vector<2048x128xf32>
    %sub3A_201 = arith.subf %broadcast_in_dim3A_4, %slice3A_200 : vector<2048x128xf32>
    %get3A_202 = arith.constant 11 : index
    %get3A_203 = arith.constant 0 : index
    %get3A_204 = vector.load %arg3[%get3A_202, %get3A_203] : memref<64x128xf32, #tpu.memory_space<vmem>>, vector<1x128xf32>
    %get3A_205 = vector.shape_cast %get3A_204 : vector<1x128xf32> to vector<128xf32>
    %broadcast_in_dim3A_206 = vector.shape_cast %get3A_205 : vector<128xf32> to vector<1x128xf32>
    %add3A_207 = vector.broadcast %broadcast_in_dim3A_206 : vector<1x128xf32> to vector<2048x128xf32>
    %add3A_208 = arith.addf %sub3A_201, %add3A_207 : vector<2048x128xf32>
    %lt3A_209 = arith.cmpf olt, %add3A_208, %min3A_199 : vector<2048x128xf32>
    %add3A_210 = arith.constant 1408 : i32
    %add3A_211 = vector.broadcast %add3A_210 : i32 to vector<1x128xi32>
    %add3A_212 = arith.addi %iota3A, %add3A_211 : vector<1x128xi32>
    %broadcast_in_dim3A_213 = vector.shape_cast %add3A_212 : vector<1x128xi32> to vector<1x128xi32>
    %broadcast_in_dim3A_214 = vector.broadcast %broadcast_in_dim3A_213 : vector<1x128xi32> to vector<2048x128xi32>
    %select_n3A_215 = arith.select %lt3A_209, %broadcast_in_dim3A_214, %select_n3A_198 : vector<2048x128xi1>, vector<2048x128xi32>
    %min3A_216 = arith.minimumf %add3A_208, %min3A_199 : vector<2048x128xf32>
    %slice3A_217 = vector.extract_strided_slice %dot_general3A_148 {offsets = [0, 512], sizes = [2048, 128], strides = [1, 1]} : vector<2048x1024xf32> to vector<2048x128xf32>
    %sub3A_218 = arith.subf %broadcast_in_dim3A_4, %slice3A_217 : vector<2048x128xf32>
    %get3A_219 = arith.constant 12 : index
    %get3A_220 = arith.constant 0 : index
    %get3A_221 = vector.load %arg3[%get3A_219, %get3A_220] : memref<64x128xf32, #tpu.memory_space<vmem>>, vector<1x128xf32>
    %get3A_222 = vector.shape_cast %get3A_221 : vector<1x128xf32> to vector<128xf32>
    %broadcast_in_dim3A_223 = vector.shape_cast %get3A_222 : vector<128xf32> to vector<1x128xf32>
    %add3A_224 = vector.broadcast %broadcast_in_dim3A_223 : vector<1x128xf32> to vector<2048x128xf32>
    %add3A_225 = arith.addf %sub3A_218, %add3A_224 : vector<2048x128xf32>
    %lt3A_226 = arith.cmpf olt, %add3A_225, %min3A_216 : vector<2048x128xf32>
    %add3A_227 = arith.constant 1536 : i32
    %add3A_228 = vector.broadcast %add3A_227 : i32 to vector<1x128xi32>
    %add3A_229 = arith.addi %iota3A, %add3A_228 : vector<1x128xi32>
    %broadcast_in_dim3A_230 = vector.shape_cast %add3A_229 : vector<1x128xi32> to vector<1x128xi32>
    %broadcast_in_dim3A_231 = vector.broadcast %broadcast_in_dim3A_230 : vector<1x128xi32> to vector<2048x128xi32>
    %select_n3A_232 = arith.select %lt3A_226, %broadcast_in_dim3A_231, %select_n3A_215 : vector<2048x128xi1>, vector<2048x128xi32>
    %min3A_233 = arith.minimumf %add3A_225, %min3A_216 : vector<2048x128xf32>
    %slice3A_234 = vector.extract_strided_slice %dot_general3A_148 {offsets = [0, 640], sizes = [2048, 128], strides = [1, 1]} : vector<2048x1024xf32> to vector<2048x128xf32>
    %sub3A_235 = arith.subf %broadcast_in_dim3A_4, %slice3A_234 : vector<2048x128xf32>
    %get3A_236 = arith.constant 13 : index
    %get3A_237 = arith.constant 0 : index
    %get3A_238 = vector.load %arg3[%get3A_236, %get3A_237] : memref<64x128xf32, #tpu.memory_space<vmem>>, vector<1x128xf32>
    %get3A_239 = vector.shape_cast %get3A_238 : vector<1x128xf32> to vector<128xf32>
    %broadcast_in_dim3A_240 = vector.shape_cast %get3A_239 : vector<128xf32> to vector<1x128xf32>
    %add3A_241 = vector.broadcast %broadcast_in_dim3A_240 : vector<1x128xf32> to vector<2048x128xf32>
    %add3A_242 = arith.addf %sub3A_235, %add3A_241 : vector<2048x128xf32>
    %lt3A_243 = arith.cmpf olt, %add3A_242, %min3A_233 : vector<2048x128xf32>
    %add3A_244 = arith.constant 1664 : i32
    %add3A_245 = vector.broadcast %add3A_244 : i32 to vector<1x128xi32>
    %add3A_246 = arith.addi %iota3A, %add3A_245 : vector<1x128xi32>
    %broadcast_in_dim3A_247 = vector.shape_cast %add3A_246 : vector<1x128xi32> to vector<1x128xi32>
    %broadcast_in_dim3A_248 = vector.broadcast %broadcast_in_dim3A_247 : vector<1x128xi32> to vector<2048x128xi32>
    %select_n3A_249 = arith.select %lt3A_243, %broadcast_in_dim3A_248, %select_n3A_232 : vector<2048x128xi1>, vector<2048x128xi32>
    %min3A_250 = arith.minimumf %add3A_242, %min3A_233 : vector<2048x128xf32>
    %slice3A_251 = vector.extract_strided_slice %dot_general3A_148 {offsets = [0, 768], sizes = [2048, 128], strides = [1, 1]} : vector<2048x1024xf32> to vector<2048x128xf32>
    %sub3A_252 = arith.subf %broadcast_in_dim3A_4, %slice3A_251 : vector<2048x128xf32>
    %get3A_253 = arith.constant 14 : index
    %get3A_254 = arith.constant 0 : index
    %get3A_255 = vector.load %arg3[%get3A_253, %get3A_254] : memref<64x128xf32, #tpu.memory_space<vmem>>, vector<1x128xf32>
    %get3A_256 = vector.shape_cast %get3A_255 : vector<1x128xf32> to vector<128xf32>
    %broadcast_in_dim3A_257 = vector.shape_cast %get3A_256 : vector<128xf32> to vector<1x128xf32>
    %add3A_258 = vector.broadcast %broadcast_in_dim3A_257 : vector<1x128xf32> to vector<2048x128xf32>
    %add3A_259 = arith.addf %sub3A_252, %add3A_258 : vector<2048x128xf32>
    %lt3A_260 = arith.cmpf olt, %add3A_259, %min3A_250 : vector<2048x128xf32>
    %add3A_261 = arith.constant 1792 : i32
    %add3A_262 = vector.broadcast %add3A_261 : i32 to vector<1x128xi32>
    %add3A_263 = arith.addi %iota3A, %add3A_262 : vector<1x128xi32>
    %broadcast_in_dim3A_264 = vector.shape_cast %add3A_263 : vector<1x128xi32> to vector<1x128xi32>
    %broadcast_in_dim3A_265 = vector.broadcast %broadcast_in_dim3A_264 : vector<1x128xi32> to vector<2048x128xi32>
    %select_n3A_266 = arith.select %lt3A_260, %broadcast_in_dim3A_265, %select_n3A_249 : vector<2048x128xi1>, vector<2048x128xi32>
    %min3A_267 = arith.minimumf %add3A_259, %min3A_250 : vector<2048x128xf32>
    %slice3A_268 = vector.extract_strided_slice %dot_general3A_148 {offsets = [0, 896], sizes = [2048, 128], strides = [1, 1]} : vector<2048x1024xf32> to vector<2048x128xf32>
    %sub3A_269 = arith.subf %broadcast_in_dim3A_4, %slice3A_268 : vector<2048x128xf32>
    %get3A_270 = arith.constant 15 : index
    %get3A_271 = arith.constant 0 : index
    %get3A_272 = vector.load %arg3[%get3A_270, %get3A_271] : memref<64x128xf32, #tpu.memory_space<vmem>>, vector<1x128xf32>
    %get3A_273 = vector.shape_cast %get3A_272 : vector<1x128xf32> to vector<128xf32>
    %broadcast_in_dim3A_274 = vector.shape_cast %get3A_273 : vector<128xf32> to vector<1x128xf32>
    %add3A_275 = vector.broadcast %broadcast_in_dim3A_274 : vector<1x128xf32> to vector<2048x128xf32>
    %add3A_276 = arith.addf %sub3A_269, %add3A_275 : vector<2048x128xf32>
    %lt3A_277 = arith.cmpf olt, %add3A_276, %min3A_267 : vector<2048x128xf32>
    %add3A_278 = arith.constant 1920 : i32
    %add3A_279 = vector.broadcast %add3A_278 : i32 to vector<1x128xi32>
    %add3A_280 = arith.addi %iota3A, %add3A_279 : vector<1x128xi32>
    %broadcast_in_dim3A_281 = vector.shape_cast %add3A_280 : vector<1x128xi32> to vector<1x128xi32>
    %broadcast_in_dim3A_282 = vector.broadcast %broadcast_in_dim3A_281 : vector<1x128xi32> to vector<2048x128xi32>
    %select_n3A_283 = arith.select %lt3A_277, %broadcast_in_dim3A_282, %select_n3A_266 : vector<2048x128xi1>, vector<2048x128xi32>
    %min3A_284 = arith.minimumf %add3A_276, %min3A_267 : vector<2048x128xf32>
    %get3A_285 = arith.constant 2048 : index
    %get3A_286 = arith.constant 0 : index
    %get3A_287 = vector.load %arg2[%get3A_285, %get3A_286] : memref<8192x256xf32, #tpu.memory_space<vmem>>, vector<1024x256xf32>
    %dot_general3A_288 = arith.constant dense<0.000000e+00> : vector<2048x1024xf32>
    %dot_general3A_289 = tpu.matmul %add3A, %get3A_287, %dot_general3A_288 {dimension_numbers = #tpu.dot_dimension_numbers<[1], [1], [0], [0], [0, 0, 1, 0], [], []>, transpose_lhs_hint = false} : vector<2048x256xf32>, vector<1024x256xf32>, vector<2048x1024xf32> -> vector<2048x1024xf32>
    %slice3A_290 = vector.extract_strided_slice %dot_general3A_289 {offsets = [0, 0], sizes = [2048, 128], strides = [1, 1]} : vector<2048x1024xf32> to vector<2048x128xf32>
    %sub3A_291 = arith.subf %broadcast_in_dim3A_4, %slice3A_290 : vector<2048x128xf32>
    %get3A_292 = arith.constant 16 : index
    %get3A_293 = arith.constant 0 : index
    %get3A_294 = vector.load %arg3[%get3A_292, %get3A_293] : memref<64x128xf32, #tpu.memory_space<vmem>>, vector<1x128xf32>
    %get3A_295 = vector.shape_cast %get3A_294 : vector<1x128xf32> to vector<128xf32>
    %broadcast_in_dim3A_296 = vector.shape_cast %get3A_295 : vector<128xf32> to vector<1x128xf32>
    %add3A_297 = vector.broadcast %broadcast_in_dim3A_296 : vector<1x128xf32> to vector<2048x128xf32>
    %add3A_298 = arith.addf %sub3A_291, %add3A_297 : vector<2048x128xf32>
    %lt3A_299 = arith.cmpf olt, %add3A_298, %min3A_284 : vector<2048x128xf32>
    %add3A_300 = arith.constant 2048 : i32
    %add3A_301 = vector.broadcast %add3A_300 : i32 to vector<1x128xi32>
    %add3A_302 = arith.addi %iota3A, %add3A_301 : vector<1x128xi32>
    %broadcast_in_dim3A_303 = vector.shape_cast %add3A_302 : vector<1x128xi32> to vector<1x128xi32>
    %broadcast_in_dim3A_304 = vector.broadcast %broadcast_in_dim3A_303 : vector<1x128xi32> to vector<2048x128xi32>
    %select_n3A_305 = arith.select %lt3A_299, %broadcast_in_dim3A_304, %select_n3A_283 : vector<2048x128xi1>, vector<2048x128xi32>
    %min3A_306 = arith.minimumf %add3A_298, %min3A_284 : vector<2048x128xf32>
    %slice3A_307 = vector.extract_strided_slice %dot_general3A_289 {offsets = [0, 128], sizes = [2048, 128], strides = [1, 1]} : vector<2048x1024xf32> to vector<2048x128xf32>
    %sub3A_308 = arith.subf %broadcast_in_dim3A_4, %slice3A_307 : vector<2048x128xf32>
    %get3A_309 = arith.constant 17 : index
    %get3A_310 = arith.constant 0 : index
    %get3A_311 = vector.load %arg3[%get3A_309, %get3A_310] : memref<64x128xf32, #tpu.memory_space<vmem>>, vector<1x128xf32>
    %get3A_312 = vector.shape_cast %get3A_311 : vector<1x128xf32> to vector<128xf32>
    %broadcast_in_dim3A_313 = vector.shape_cast %get3A_312 : vector<128xf32> to vector<1x128xf32>
    %add3A_314 = vector.broadcast %broadcast_in_dim3A_313 : vector<1x128xf32> to vector<2048x128xf32>
    %add3A_315 = arith.addf %sub3A_308, %add3A_314 : vector<2048x128xf32>
    %lt3A_316 = arith.cmpf olt, %add3A_315, %min3A_306 : vector<2048x128xf32>
    %add3A_317 = arith.constant 2176 : i32
    %add3A_318 = vector.broadcast %add3A_317 : i32 to vector<1x128xi32>
    %add3A_319 = arith.addi %iota3A, %add3A_318 : vector<1x128xi32>
    %broadcast_in_dim3A_320 = vector.shape_cast %add3A_319 : vector<1x128xi32> to vector<1x128xi32>
    %broadcast_in_dim3A_321 = vector.broadcast %broadcast_in_dim3A_320 : vector<1x128xi32> to vector<2048x128xi32>
    %select_n3A_322 = arith.select %lt3A_316, %broadcast_in_dim3A_321, %select_n3A_305 : vector<2048x128xi1>, vector<2048x128xi32>
    %min3A_323 = arith.minimumf %add3A_315, %min3A_306 : vector<2048x128xf32>
    %slice3A_324 = vector.extract_strided_slice %dot_general3A_289 {offsets = [0, 256], sizes = [2048, 128], strides = [1, 1]} : vector<2048x1024xf32> to vector<2048x128xf32>
    %sub3A_325 = arith.subf %broadcast_in_dim3A_4, %slice3A_324 : vector<2048x128xf32>
    %get3A_326 = arith.constant 18 : index
    %get3A_327 = arith.constant 0 : index
    %get3A_328 = vector.load %arg3[%get3A_326, %get3A_327] : memref<64x128xf32, #tpu.memory_space<vmem>>, vector<1x128xf32>
    %get3A_329 = vector.shape_cast %get3A_328 : vector<1x128xf32> to vector<128xf32>
    %broadcast_in_dim3A_330 = vector.shape_cast %get3A_329 : vector<128xf32> to vector<1x128xf32>
    %add3A_331 = vector.broadcast %broadcast_in_dim3A_330 : vector<1x128xf32> to vector<2048x128xf32>
    %add3A_332 = arith.addf %sub3A_325, %add3A_331 : vector<2048x128xf32>
    %lt3A_333 = arith.cmpf olt, %add3A_332, %min3A_323 : vector<2048x128xf32>
    %add3A_334 = arith.constant 2304 : i32
    %add3A_335 = vector.broadcast %add3A_334 : i32 to vector<1x128xi32>
    %add3A_336 = arith.addi %iota3A, %add3A_335 : vector<1x128xi32>
    %broadcast_in_dim3A_337 = vector.shape_cast %add3A_336 : vector<1x128xi32> to vector<1x128xi32>
    %broadcast_in_dim3A_338 = vector.broadcast %broadcast_in_dim3A_337 : vector<1x128xi32> to vector<2048x128xi32>
    %select_n3A_339 = arith.select %lt3A_333, %broadcast_in_dim3A_338, %select_n3A_322 : vector<2048x128xi1>, vector<2048x128xi32>
    %min3A_340 = arith.minimumf %add3A_332, %min3A_323 : vector<2048x128xf32>
    %slice3A_341 = vector.extract_strided_slice %dot_general3A_289 {offsets = [0, 384], sizes = [2048, 128], strides = [1, 1]} : vector<2048x1024xf32> to vector<2048x128xf32>
    %sub3A_342 = arith.subf %broadcast_in_dim3A_4, %slice3A_341 : vector<2048x128xf32>
    %get3A_343 = arith.constant 19 : index
    %get3A_344 = arith.constant 0 : index
    %get3A_345 = vector.load %arg3[%get3A_343, %get3A_344] : memref<64x128xf32, #tpu.memory_space<vmem>>, vector<1x128xf32>
    %get3A_346 = vector.shape_cast %get3A_345 : vector<1x128xf32> to vector<128xf32>
    %broadcast_in_dim3A_347 = vector.shape_cast %get3A_346 : vector<128xf32> to vector<1x128xf32>
    %add3A_348 = vector.broadcast %broadcast_in_dim3A_347 : vector<1x128xf32> to vector<2048x128xf32>
    %add3A_349 = arith.addf %sub3A_342, %add3A_348 : vector<2048x128xf32>
    %lt3A_350 = arith.cmpf olt, %add3A_349, %min3A_340 : vector<2048x128xf32>
    %add3A_351 = arith.constant 2432 : i32
    %add3A_352 = vector.broadcast %add3A_351 : i32 to vector<1x128xi32>
    %add3A_353 = arith.addi %iota3A, %add3A_352 : vector<1x128xi32>
    %broadcast_in_dim3A_354 = vector.shape_cast %add3A_353 : vector<1x128xi32> to vector<1x128xi32>
    %broadcast_in_dim3A_355 = vector.broadcast %broadcast_in_dim3A_354 : vector<1x128xi32> to vector<2048x128xi32>
    %select_n3A_356 = arith.select %lt3A_350, %broadcast_in_dim3A_355, %select_n3A_339 : vector<2048x128xi1>, vector<2048x128xi32>
    %min3A_357 = arith.minimumf %add3A_349, %min3A_340 : vector<2048x128xf32>
    %slice3A_358 = vector.extract_strided_slice %dot_general3A_289 {offsets = [0, 512], sizes = [2048, 128], strides = [1, 1]} : vector<2048x1024xf32> to vector<2048x128xf32>
    %sub3A_359 = arith.subf %broadcast_in_dim3A_4, %slice3A_358 : vector<2048x128xf32>
    %get3A_360 = arith.constant 20 : index
    %get3A_361 = arith.constant 0 : index
    %get3A_362 = vector.load %arg3[%get3A_360, %get3A_361] : memref<64x128xf32, #tpu.memory_space<vmem>>, vector<1x128xf32>
    %get3A_363 = vector.shape_cast %get3A_362 : vector<1x128xf32> to vector<128xf32>
    %broadcast_in_dim3A_364 = vector.shape_cast %get3A_363 : vector<128xf32> to vector<1x128xf32>
    %add3A_365 = vector.broadcast %broadcast_in_dim3A_364 : vector<1x128xf32> to vector<2048x128xf32>
    %add3A_366 = arith.addf %sub3A_359, %add3A_365 : vector<2048x128xf32>
    %lt3A_367 = arith.cmpf olt, %add3A_366, %min3A_357 : vector<2048x128xf32>
    %add3A_368 = arith.constant 2560 : i32
    %add3A_369 = vector.broadcast %add3A_368 : i32 to vector<1x128xi32>
    %add3A_370 = arith.addi %iota3A, %add3A_369 : vector<1x128xi32>
    %broadcast_in_dim3A_371 = vector.shape_cast %add3A_370 : vector<1x128xi32> to vector<1x128xi32>
    %broadcast_in_dim3A_372 = vector.broadcast %broadcast_in_dim3A_371 : vector<1x128xi32> to vector<2048x128xi32>
    %select_n3A_373 = arith.select %lt3A_367, %broadcast_in_dim3A_372, %select_n3A_356 : vector<2048x128xi1>, vector<2048x128xi32>
    %min3A_374 = arith.minimumf %add3A_366, %min3A_357 : vector<2048x128xf32>
    %slice3A_375 = vector.extract_strided_slice %dot_general3A_289 {offsets = [0, 640], sizes = [2048, 128], strides = [1, 1]} : vector<2048x1024xf32> to vector<2048x128xf32>
    %sub3A_376 = arith.subf %broadcast_in_dim3A_4, %slice3A_375 : vector<2048x128xf32>
    %get3A_377 = arith.constant 21 : index
    %get3A_378 = arith.constant 0 : index
    %get3A_379 = vector.load %arg3[%get3A_377, %get3A_378] : memref<64x128xf32, #tpu.memory_space<vmem>>, vector<1x128xf32>
    %get3A_380 = vector.shape_cast %get3A_379 : vector<1x128xf32> to vector<128xf32>
    %broadcast_in_dim3A_381 = vector.shape_cast %get3A_380 : vector<128xf32> to vector<1x128xf32>
    %add3A_382 = vector.broadcast %broadcast_in_dim3A_381 : vector<1x128xf32> to vector<2048x128xf32>
    %add3A_383 = arith.addf %sub3A_376, %add3A_382 : vector<2048x128xf32>
    %lt3A_384 = arith.cmpf olt, %add3A_383, %min3A_374 : vector<2048x128xf32>
    %add3A_385 = arith.constant 2688 : i32
    %add3A_386 = vector.broadcast %add3A_385 : i32 to vector<1x128xi32>
    %add3A_387 = arith.addi %iota3A, %add3A_386 : vector<1x128xi32>
    %broadcast_in_dim3A_388 = vector.shape_cast %add3A_387 : vector<1x128xi32> to vector<1x128xi32>
    %broadcast_in_dim3A_389 = vector.broadcast %broadcast_in_dim3A_388 : vector<1x128xi32> to vector<2048x128xi32>
    %select_n3A_390 = arith.select %lt3A_384, %broadcast_in_dim3A_389, %select_n3A_373 : vector<2048x128xi1>, vector<2048x128xi32>
    %min3A_391 = arith.minimumf %add3A_383, %min3A_374 : vector<2048x128xf32>
    %slice3A_392 = vector.extract_strided_slice %dot_general3A_289 {offsets = [0, 768], sizes = [2048, 128], strides = [1, 1]} : vector<2048x1024xf32> to vector<2048x128xf32>
    %sub3A_393 = arith.subf %broadcast_in_dim3A_4, %slice3A_392 : vector<2048x128xf32>
    %get3A_394 = arith.constant 22 : index
    %get3A_395 = arith.constant 0 : index
    %get3A_396 = vector.load %arg3[%get3A_394, %get3A_395] : memref<64x128xf32, #tpu.memory_space<vmem>>, vector<1x128xf32>
    %get3A_397 = vector.shape_cast %get3A_396 : vector<1x128xf32> to vector<128xf32>
    %broadcast_in_dim3A_398 = vector.shape_cast %get3A_397 : vector<128xf32> to vector<1x128xf32>
    %add3A_399 = vector.broadcast %broadcast_in_dim3A_398 : vector<1x128xf32> to vector<2048x128xf32>
    %add3A_400 = arith.addf %sub3A_393, %add3A_399 : vector<2048x128xf32>
    %lt3A_401 = arith.cmpf olt, %add3A_400, %min3A_391 : vector<2048x128xf32>
    %add3A_402 = arith.constant 2816 : i32
    %add3A_403 = vector.broadcast %add3A_402 : i32 to vector<1x128xi32>
    %add3A_404 = arith.addi %iota3A, %add3A_403 : vector<1x128xi32>
    %broadcast_in_dim3A_405 = vector.shape_cast %add3A_404 : vector<1x128xi32> to vector<1x128xi32>
    %broadcast_in_dim3A_406 = vector.broadcast %broadcast_in_dim3A_405 : vector<1x128xi32> to vector<2048x128xi32>
    %select_n3A_407 = arith.select %lt3A_401, %broadcast_in_dim3A_406, %select_n3A_390 : vector<2048x128xi1>, vector<2048x128xi32>
    %min3A_408 = arith.minimumf %add3A_400, %min3A_391 : vector<2048x128xf32>
    %slice3A_409 = vector.extract_strided_slice %dot_general3A_289 {offsets = [0, 896], sizes = [2048, 128], strides = [1, 1]} : vector<2048x1024xf32> to vector<2048x128xf32>
    %sub3A_410 = arith.subf %broadcast_in_dim3A_4, %slice3A_409 : vector<2048x128xf32>
    %get3A_411 = arith.constant 23 : index
    %get3A_412 = arith.constant 0 : index
    %get3A_413 = vector.load %arg3[%get3A_411, %get3A_412] : memref<64x128xf32, #tpu.memory_space<vmem>>, vector<1x128xf32>
    %get3A_414 = vector.shape_cast %get3A_413 : vector<1x128xf32> to vector<128xf32>
    %broadcast_in_dim3A_415 = vector.shape_cast %get3A_414 : vector<128xf32> to vector<1x128xf32>
    %add3A_416 = vector.broadcast %broadcast_in_dim3A_415 : vector<1x128xf32> to vector<2048x128xf32>
    %add3A_417 = arith.addf %sub3A_410, %add3A_416 : vector<2048x128xf32>
    %lt3A_418 = arith.cmpf olt, %add3A_417, %min3A_408 : vector<2048x128xf32>
    %add3A_419 = arith.constant 2944 : i32
    %add3A_420 = vector.broadcast %add3A_419 : i32 to vector<1x128xi32>
    %add3A_421 = arith.addi %iota3A, %add3A_420 : vector<1x128xi32>
    %broadcast_in_dim3A_422 = vector.shape_cast %add3A_421 : vector<1x128xi32> to vector<1x128xi32>
    %broadcast_in_dim3A_423 = vector.broadcast %broadcast_in_dim3A_422 : vector<1x128xi32> to vector<2048x128xi32>
    %select_n3A_424 = arith.select %lt3A_418, %broadcast_in_dim3A_423, %select_n3A_407 : vector<2048x128xi1>, vector<2048x128xi32>
    %min3A_425 = arith.minimumf %add3A_417, %min3A_408 : vector<2048x128xf32>
    %get3A_426 = arith.constant 3072 : index
    %get3A_427 = arith.constant 0 : index
    %get3A_428 = vector.load %arg2[%get3A_426, %get3A_427] : memref<8192x256xf32, #tpu.memory_space<vmem>>, vector<1024x256xf32>
    %dot_general3A_429 = arith.constant dense<0.000000e+00> : vector<2048x1024xf32>
    %dot_general3A_430 = tpu.matmul %add3A, %get3A_428, %dot_general3A_429 {dimension_numbers = #tpu.dot_dimension_numbers<[1], [1], [0], [0], [0, 0, 1, 0], [], []>, transpose_lhs_hint = false} : vector<2048x256xf32>, vector<1024x256xf32>, vector<2048x1024xf32> -> vector<2048x1024xf32>
    %slice3A_431 = vector.extract_strided_slice %dot_general3A_430 {offsets = [0, 0], sizes = [2048, 128], strides = [1, 1]} : vector<2048x1024xf32> to vector<2048x128xf32>
    %sub3A_432 = arith.subf %broadcast_in_dim3A_4, %slice3A_431 : vector<2048x128xf32>
    %get3A_433 = arith.constant 24 : index
    %get3A_434 = arith.constant 0 : index
    %get3A_435 = vector.load %arg3[%get3A_433, %get3A_434] : memref<64x128xf32, #tpu.memory_space<vmem>>, vector<1x128xf32>
    %get3A_436 = vector.shape_cast %get3A_435 : vector<1x128xf32> to vector<128xf32>
    %broadcast_in_dim3A_437 = vector.shape_cast %get3A_436 : vector<128xf32> to vector<1x128xf32>
    %add3A_438 = vector.broadcast %broadcast_in_dim3A_437 : vector<1x128xf32> to vector<2048x128xf32>
    %add3A_439 = arith.addf %sub3A_432, %add3A_438 : vector<2048x128xf32>
    %lt3A_440 = arith.cmpf olt, %add3A_439, %min3A_425 : vector<2048x128xf32>
    %add3A_441 = arith.constant 3072 : i32
    %add3A_442 = vector.broadcast %add3A_441 : i32 to vector<1x128xi32>
    %add3A_443 = arith.addi %iota3A, %add3A_442 : vector<1x128xi32>
    %broadcast_in_dim3A_444 = vector.shape_cast %add3A_443 : vector<1x128xi32> to vector<1x128xi32>
    %broadcast_in_dim3A_445 = vector.broadcast %broadcast_in_dim3A_444 : vector<1x128xi32> to vector<2048x128xi32>
    %select_n3A_446 = arith.select %lt3A_440, %broadcast_in_dim3A_445, %select_n3A_424 : vector<2048x128xi1>, vector<2048x128xi32>
    %min3A_447 = arith.minimumf %add3A_439, %min3A_425 : vector<2048x128xf32>
    %slice3A_448 = vector.extract_strided_slice %dot_general3A_430 {offsets = [0, 128], sizes = [2048, 128], strides = [1, 1]} : vector<2048x1024xf32> to vector<2048x128xf32>
    %sub3A_449 = arith.subf %broadcast_in_dim3A_4, %slice3A_448 : vector<2048x128xf32>
    %get3A_450 = arith.constant 25 : index
    %get3A_451 = arith.constant 0 : index
    %get3A_452 = vector.load %arg3[%get3A_450, %get3A_451] : memref<64x128xf32, #tpu.memory_space<vmem>>, vector<1x128xf32>
    %get3A_453 = vector.shape_cast %get3A_452 : vector<1x128xf32> to vector<128xf32>
    %broadcast_in_dim3A_454 = vector.shape_cast %get3A_453 : vector<128xf32> to vector<1x128xf32>
    %add3A_455 = vector.broadcast %broadcast_in_dim3A_454 : vector<1x128xf32> to vector<2048x128xf32>
    %add3A_456 = arith.addf %sub3A_449, %add3A_455 : vector<2048x128xf32>
    %lt3A_457 = arith.cmpf olt, %add3A_456, %min3A_447 : vector<2048x128xf32>
    %add3A_458 = arith.constant 3200 : i32
    %add3A_459 = vector.broadcast %add3A_458 : i32 to vector<1x128xi32>
    %add3A_460 = arith.addi %iota3A, %add3A_459 : vector<1x128xi32>
    %broadcast_in_dim3A_461 = vector.shape_cast %add3A_460 : vector<1x128xi32> to vector<1x128xi32>
    %broadcast_in_dim3A_462 = vector.broadcast %broadcast_in_dim3A_461 : vector<1x128xi32> to vector<2048x128xi32>
    %select_n3A_463 = arith.select %lt3A_457, %broadcast_in_dim3A_462, %select_n3A_446 : vector<2048x128xi1>, vector<2048x128xi32>
    %min3A_464 = arith.minimumf %add3A_456, %min3A_447 : vector<2048x128xf32>
    %slice3A_465 = vector.extract_strided_slice %dot_general3A_430 {offsets = [0, 256], sizes = [2048, 128], strides = [1, 1]} : vector<2048x1024xf32> to vector<2048x128xf32>
    %sub3A_466 = arith.subf %broadcast_in_dim3A_4, %slice3A_465 : vector<2048x128xf32>
    %get3A_467 = arith.constant 26 : index
    %get3A_468 = arith.constant 0 : index
    %get3A_469 = vector.load %arg3[%get3A_467, %get3A_468] : memref<64x128xf32, #tpu.memory_space<vmem>>, vector<1x128xf32>
    %get3A_470 = vector.shape_cast %get3A_469 : vector<1x128xf32> to vector<128xf32>
    %broadcast_in_dim3A_471 = vector.shape_cast %get3A_470 : vector<128xf32> to vector<1x128xf32>
    %add3A_472 = vector.broadcast %broadcast_in_dim3A_471 : vector<1x128xf32> to vector<2048x128xf32>
    %add3A_473 = arith.addf %sub3A_466, %add3A_472 : vector<2048x128xf32>
    %lt3A_474 = arith.cmpf olt, %add3A_473, %min3A_464 : vector<2048x128xf32>
    %add3A_475 = arith.constant 3328 : i32
    %add3A_476 = vector.broadcast %add3A_475 : i32 to vector<1x128xi32>
    %add3A_477 = arith.addi %iota3A, %add3A_476 : vector<1x128xi32>
    %broadcast_in_dim3A_478 = vector.shape_cast %add3A_477 : vector<1x128xi32> to vector<1x128xi32>
    %broadcast_in_dim3A_479 = vector.broadcast %broadcast_in_dim3A_478 : vector<1x128xi32> to vector<2048x128xi32>
    %select_n3A_480 = arith.select %lt3A_474, %broadcast_in_dim3A_479, %select_n3A_463 : vector<2048x128xi1>, vector<2048x128xi32>
    %min3A_481 = arith.minimumf %add3A_473, %min3A_464 : vector<2048x128xf32>
    %slice3A_482 = vector.extract_strided_slice %dot_general3A_430 {offsets = [0, 384], sizes = [2048, 128], strides = [1, 1]} : vector<2048x1024xf32> to vector<2048x128xf32>
    %sub3A_483 = arith.subf %broadcast_in_dim3A_4, %slice3A_482 : vector<2048x128xf32>
    %get3A_484 = arith.constant 27 : index
    %get3A_485 = arith.constant 0 : index
    %get3A_486 = vector.load %arg3[%get3A_484, %get3A_485] : memref<64x128xf32, #tpu.memory_space<vmem>>, vector<1x128xf32>
    %get3A_487 = vector.shape_cast %get3A_486 : vector<1x128xf32> to vector<128xf32>
    %broadcast_in_dim3A_488 = vector.shape_cast %get3A_487 : vector<128xf32> to vector<1x128xf32>
    %add3A_489 = vector.broadcast %broadcast_in_dim3A_488 : vector<1x128xf32> to vector<2048x128xf32>
    %add3A_490 = arith.addf %sub3A_483, %add3A_489 : vector<2048x128xf32>
    %lt3A_491 = arith.cmpf olt, %add3A_490, %min3A_481 : vector<2048x128xf32>
    %add3A_492 = arith.constant 3456 : i32
    %add3A_493 = vector.broadcast %add3A_492 : i32 to vector<1x128xi32>
    %add3A_494 = arith.addi %iota3A, %add3A_493 : vector<1x128xi32>
    %broadcast_in_dim3A_495 = vector.shape_cast %add3A_494 : vector<1x128xi32> to vector<1x128xi32>
    %broadcast_in_dim3A_496 = vector.broadcast %broadcast_in_dim3A_495 : vector<1x128xi32> to vector<2048x128xi32>
    %select_n3A_497 = arith.select %lt3A_491, %broadcast_in_dim3A_496, %select_n3A_480 : vector<2048x128xi1>, vector<2048x128xi32>
    %min3A_498 = arith.minimumf %add3A_490, %min3A_481 : vector<2048x128xf32>
    %slice3A_499 = vector.extract_strided_slice %dot_general3A_430 {offsets = [0, 512], sizes = [2048, 128], strides = [1, 1]} : vector<2048x1024xf32> to vector<2048x128xf32>
    %sub3A_500 = arith.subf %broadcast_in_dim3A_4, %slice3A_499 : vector<2048x128xf32>
    %get3A_501 = arith.constant 28 : index
    %get3A_502 = arith.constant 0 : index
    %get3A_503 = vector.load %arg3[%get3A_501, %get3A_502] : memref<64x128xf32, #tpu.memory_space<vmem>>, vector<1x128xf32>
    %get3A_504 = vector.shape_cast %get3A_503 : vector<1x128xf32> to vector<128xf32>
    %broadcast_in_dim3A_505 = vector.shape_cast %get3A_504 : vector<128xf32> to vector<1x128xf32>
    %add3A_506 = vector.broadcast %broadcast_in_dim3A_505 : vector<1x128xf32> to vector<2048x128xf32>
    %add3A_507 = arith.addf %sub3A_500, %add3A_506 : vector<2048x128xf32>
    %lt3A_508 = arith.cmpf olt, %add3A_507, %min3A_498 : vector<2048x128xf32>
    %add3A_509 = arith.constant 3584 : i32
    %add3A_510 = vector.broadcast %add3A_509 : i32 to vector<1x128xi32>
    %add3A_511 = arith.addi %iota3A, %add3A_510 : vector<1x128xi32>
    %broadcast_in_dim3A_512 = vector.shape_cast %add3A_511 : vector<1x128xi32> to vector<1x128xi32>
    %broadcast_in_dim3A_513 = vector.broadcast %broadcast_in_dim3A_512 : vector<1x128xi32> to vector<2048x128xi32>
    %select_n3A_514 = arith.select %lt3A_508, %broadcast_in_dim3A_513, %select_n3A_497 : vector<2048x128xi1>, vector<2048x128xi32>
    %min3A_515 = arith.minimumf %add3A_507, %min3A_498 : vector<2048x128xf32>
    %slice3A_516 = vector.extract_strided_slice %dot_general3A_430 {offsets = [0, 640], sizes = [2048, 128], strides = [1, 1]} : vector<2048x1024xf32> to vector<2048x128xf32>
    %sub3A_517 = arith.subf %broadcast_in_dim3A_4, %slice3A_516 : vector<2048x128xf32>
    %get3A_518 = arith.constant 29 : index
    %get3A_519 = arith.constant 0 : index
    %get3A_520 = vector.load %arg3[%get3A_518, %get3A_519] : memref<64x128xf32, #tpu.memory_space<vmem>>, vector<1x128xf32>
    %get3A_521 = vector.shape_cast %get3A_520 : vector<1x128xf32> to vector<128xf32>
    %broadcast_in_dim3A_522 = vector.shape_cast %get3A_521 : vector<128xf32> to vector<1x128xf32>
    %add3A_523 = vector.broadcast %broadcast_in_dim3A_522 : vector<1x128xf32> to vector<2048x128xf32>
    %add3A_524 = arith.addf %sub3A_517, %add3A_523 : vector<2048x128xf32>
    %lt3A_525 = arith.cmpf olt, %add3A_524, %min3A_515 : vector<2048x128xf32>
    %add3A_526 = arith.constant 3712 : i32
    %add3A_527 = vector.broadcast %add3A_526 : i32 to vector<1x128xi32>
    %add3A_528 = arith.addi %iota3A, %add3A_527 : vector<1x128xi32>
    %broadcast_in_dim3A_529 = vector.shape_cast %add3A_528 : vector<1x128xi32> to vector<1x128xi32>
    %broadcast_in_dim3A_530 = vector.broadcast %broadcast_in_dim3A_529 : vector<1x128xi32> to vector<2048x128xi32>
    %select_n3A_531 = arith.select %lt3A_525, %broadcast_in_dim3A_530, %select_n3A_514 : vector<2048x128xi1>, vector<2048x128xi32>
    %min3A_532 = arith.minimumf %add3A_524, %min3A_515 : vector<2048x128xf32>
    %slice3A_533 = vector.extract_strided_slice %dot_general3A_430 {offsets = [0, 768], sizes = [2048, 128], strides = [1, 1]} : vector<2048x1024xf32> to vector<2048x128xf32>
    %sub3A_534 = arith.subf %broadcast_in_dim3A_4, %slice3A_533 : vector<2048x128xf32>
    %get3A_535 = arith.constant 30 : index
    %get3A_536 = arith.constant 0 : index
    %get3A_537 = vector.load %arg3[%get3A_535, %get3A_536] : memref<64x128xf32, #tpu.memory_space<vmem>>, vector<1x128xf32>
    %get3A_538 = vector.shape_cast %get3A_537 : vector<1x128xf32> to vector<128xf32>
    %broadcast_in_dim3A_539 = vector.shape_cast %get3A_538 : vector<128xf32> to vector<1x128xf32>
    %add3A_540 = vector.broadcast %broadcast_in_dim3A_539 : vector<1x128xf32> to vector<2048x128xf32>
    %add3A_541 = arith.addf %sub3A_534, %add3A_540 : vector<2048x128xf32>
    %lt3A_542 = arith.cmpf olt, %add3A_541, %min3A_532 : vector<2048x128xf32>
    %add3A_543 = arith.constant 3840 : i32
    %add3A_544 = vector.broadcast %add3A_543 : i32 to vector<1x128xi32>
    %add3A_545 = arith.addi %iota3A, %add3A_544 : vector<1x128xi32>
    %broadcast_in_dim3A_546 = vector.shape_cast %add3A_545 : vector<1x128xi32> to vector<1x128xi32>
    %broadcast_in_dim3A_547 = vector.broadcast %broadcast_in_dim3A_546 : vector<1x128xi32> to vector<2048x128xi32>
    %select_n3A_548 = arith.select %lt3A_542, %broadcast_in_dim3A_547, %select_n3A_531 : vector<2048x128xi1>, vector<2048x128xi32>
    %min3A_549 = arith.minimumf %add3A_541, %min3A_532 : vector<2048x128xf32>
    %slice3A_550 = vector.extract_strided_slice %dot_general3A_430 {offsets = [0, 896], sizes = [2048, 128], strides = [1, 1]} : vector<2048x1024xf32> to vector<2048x128xf32>
    %sub3A_551 = arith.subf %broadcast_in_dim3A_4, %slice3A_550 : vector<2048x128xf32>
    %get3A_552 = arith.constant 31 : index
    %get3A_553 = arith.constant 0 : index
    %get3A_554 = vector.load %arg3[%get3A_552, %get3A_553] : memref<64x128xf32, #tpu.memory_space<vmem>>, vector<1x128xf32>
    %get3A_555 = vector.shape_cast %get3A_554 : vector<1x128xf32> to vector<128xf32>
    %broadcast_in_dim3A_556 = vector.shape_cast %get3A_555 : vector<128xf32> to vector<1x128xf32>
    %add3A_557 = vector.broadcast %broadcast_in_dim3A_556 : vector<1x128xf32> to vector<2048x128xf32>
    %add3A_558 = arith.addf %sub3A_551, %add3A_557 : vector<2048x128xf32>
    %lt3A_559 = arith.cmpf olt, %add3A_558, %min3A_549 : vector<2048x128xf32>
    %add3A_560 = arith.constant 3968 : i32
    %add3A_561 = vector.broadcast %add3A_560 : i32 to vector<1x128xi32>
    %add3A_562 = arith.addi %iota3A, %add3A_561 : vector<1x128xi32>
    %broadcast_in_dim3A_563 = vector.shape_cast %add3A_562 : vector<1x128xi32> to vector<1x128xi32>
    %broadcast_in_dim3A_564 = vector.broadcast %broadcast_in_dim3A_563 : vector<1x128xi32> to vector<2048x128xi32>
    %select_n3A_565 = arith.select %lt3A_559, %broadcast_in_dim3A_564, %select_n3A_548 : vector<2048x128xi1>, vector<2048x128xi32>
    %min3A_566 = arith.minimumf %add3A_558, %min3A_549 : vector<2048x128xf32>
    %get3A_567 = arith.constant 4096 : index
    %get3A_568 = arith.constant 0 : index
    %get3A_569 = vector.load %arg2[%get3A_567, %get3A_568] : memref<8192x256xf32, #tpu.memory_space<vmem>>, vector<1024x256xf32>
    %dot_general3A_570 = arith.constant dense<0.000000e+00> : vector<2048x1024xf32>
    %dot_general3A_571 = tpu.matmul %add3A, %get3A_569, %dot_general3A_570 {dimension_numbers = #tpu.dot_dimension_numbers<[1], [1], [0], [0], [0, 0, 1, 0], [], []>, transpose_lhs_hint = false} : vector<2048x256xf32>, vector<1024x256xf32>, vector<2048x1024xf32> -> vector<2048x1024xf32>
    %slice3A_572 = vector.extract_strided_slice %dot_general3A_571 {offsets = [0, 0], sizes = [2048, 128], strides = [1, 1]} : vector<2048x1024xf32> to vector<2048x128xf32>
    %sub3A_573 = arith.subf %broadcast_in_dim3A_4, %slice3A_572 : vector<2048x128xf32>
    %get3A_574 = arith.constant 32 : index
    %get3A_575 = arith.constant 0 : index
    %get3A_576 = vector.load %arg3[%get3A_574, %get3A_575] : memref<64x128xf32, #tpu.memory_space<vmem>>, vector<1x128xf32>
    %get3A_577 = vector.shape_cast %get3A_576 : vector<1x128xf32> to vector<128xf32>
    %broadcast_in_dim3A_578 = vector.shape_cast %get3A_577 : vector<128xf32> to vector<1x128xf32>
    %add3A_579 = vector.broadcast %broadcast_in_dim3A_578 : vector<1x128xf32> to vector<2048x128xf32>
    %add3A_580 = arith.addf %sub3A_573, %add3A_579 : vector<2048x128xf32>
    %lt3A_581 = arith.cmpf olt, %add3A_580, %min3A_566 : vector<2048x128xf32>
    %add3A_582 = arith.constant 4096 : i32
    %add3A_583 = vector.broadcast %add3A_582 : i32 to vector<1x128xi32>
    %add3A_584 = arith.addi %iota3A, %add3A_583 : vector<1x128xi32>
    %broadcast_in_dim3A_585 = vector.shape_cast %add3A_584 : vector<1x128xi32> to vector<1x128xi32>
    %broadcast_in_dim3A_586 = vector.broadcast %broadcast_in_dim3A_585 : vector<1x128xi32> to vector<2048x128xi32>
    %select_n3A_587 = arith.select %lt3A_581, %broadcast_in_dim3A_586, %select_n3A_565 : vector<2048x128xi1>, vector<2048x128xi32>
    %min3A_588 = arith.minimumf %add3A_580, %min3A_566 : vector<2048x128xf32>
    %slice3A_589 = vector.extract_strided_slice %dot_general3A_571 {offsets = [0, 128], sizes = [2048, 128], strides = [1, 1]} : vector<2048x1024xf32> to vector<2048x128xf32>
    %sub3A_590 = arith.subf %broadcast_in_dim3A_4, %slice3A_589 : vector<2048x128xf32>
    %get3A_591 = arith.constant 33 : index
    %get3A_592 = arith.constant 0 : index
    %get3A_593 = vector.load %arg3[%get3A_591, %get3A_592] : memref<64x128xf32, #tpu.memory_space<vmem>>, vector<1x128xf32>
    %get3A_594 = vector.shape_cast %get3A_593 : vector<1x128xf32> to vector<128xf32>
    %broadcast_in_dim3A_595 = vector.shape_cast %get3A_594 : vector<128xf32> to vector<1x128xf32>
    %add3A_596 = vector.broadcast %broadcast_in_dim3A_595 : vector<1x128xf32> to vector<2048x128xf32>
    %add3A_597 = arith.addf %sub3A_590, %add3A_596 : vector<2048x128xf32>
    %lt3A_598 = arith.cmpf olt, %add3A_597, %min3A_588 : vector<2048x128xf32>
    %add3A_599 = arith.constant 4224 : i32
    %add3A_600 = vector.broadcast %add3A_599 : i32 to vector<1x128xi32>
    %add3A_601 = arith.addi %iota3A, %add3A_600 : vector<1x128xi32>
    %broadcast_in_dim3A_602 = vector.shape_cast %add3A_601 : vector<1x128xi32> to vector<1x128xi32>
    %broadcast_in_dim3A_603 = vector.broadcast %broadcast_in_dim3A_602 : vector<1x128xi32> to vector<2048x128xi32>
    %select_n3A_604 = arith.select %lt3A_598, %broadcast_in_dim3A_603, %select_n3A_587 : vector<2048x128xi1>, vector<2048x128xi32>
    %min3A_605 = arith.minimumf %add3A_597, %min3A_588 : vector<2048x128xf32>
    %slice3A_606 = vector.extract_strided_slice %dot_general3A_571 {offsets = [0, 256], sizes = [2048, 128], strides = [1, 1]} : vector<2048x1024xf32> to vector<2048x128xf32>
    %sub3A_607 = arith.subf %broadcast_in_dim3A_4, %slice3A_606 : vector<2048x128xf32>
    %get3A_608 = arith.constant 34 : index
    %get3A_609 = arith.constant 0 : index
    %get3A_610 = vector.load %arg3[%get3A_608, %get3A_609] : memref<64x128xf32, #tpu.memory_space<vmem>>, vector<1x128xf32>
    %get3A_611 = vector.shape_cast %get3A_610 : vector<1x128xf32> to vector<128xf32>
    %broadcast_in_dim3A_612 = vector.shape_cast %get3A_611 : vector<128xf32> to vector<1x128xf32>
    %add3A_613 = vector.broadcast %broadcast_in_dim3A_612 : vector<1x128xf32> to vector<2048x128xf32>
    %add3A_614 = arith.addf %sub3A_607, %add3A_613 : vector<2048x128xf32>
    %lt3A_615 = arith.cmpf olt, %add3A_614, %min3A_605 : vector<2048x128xf32>
    %add3A_616 = arith.constant 4352 : i32
    %add3A_617 = vector.broadcast %add3A_616 : i32 to vector<1x128xi32>
    %add3A_618 = arith.addi %iota3A, %add3A_617 : vector<1x128xi32>
    %broadcast_in_dim3A_619 = vector.shape_cast %add3A_618 : vector<1x128xi32> to vector<1x128xi32>
    %broadcast_in_dim3A_620 = vector.broadcast %broadcast_in_dim3A_619 : vector<1x128xi32> to vector<2048x128xi32>
    %select_n3A_621 = arith.select %lt3A_615, %broadcast_in_dim3A_620, %select_n3A_604 : vector<2048x128xi1>, vector<2048x128xi32>
    %min3A_622 = arith.minimumf %add3A_614, %min3A_605 : vector<2048x128xf32>
    %slice3A_623 = vector.extract_strided_slice %dot_general3A_571 {offsets = [0, 384], sizes = [2048, 128], strides = [1, 1]} : vector<2048x1024xf32> to vector<2048x128xf32>
    %sub3A_624 = arith.subf %broadcast_in_dim3A_4, %slice3A_623 : vector<2048x128xf32>
    %get3A_625 = arith.constant 35 : index
    %get3A_626 = arith.constant 0 : index
    %get3A_627 = vector.load %arg3[%get3A_625, %get3A_626] : memref<64x128xf32, #tpu.memory_space<vmem>>, vector<1x128xf32>
    %get3A_628 = vector.shape_cast %get3A_627 : vector<1x128xf32> to vector<128xf32>
    %broadcast_in_dim3A_629 = vector.shape_cast %get3A_628 : vector<128xf32> to vector<1x128xf32>
    %add3A_630 = vector.broadcast %broadcast_in_dim3A_629 : vector<1x128xf32> to vector<2048x128xf32>
    %add3A_631 = arith.addf %sub3A_624, %add3A_630 : vector<2048x128xf32>
    %lt3A_632 = arith.cmpf olt, %add3A_631, %min3A_622 : vector<2048x128xf32>
    %add3A_633 = arith.constant 4480 : i32
    %add3A_634 = vector.broadcast %add3A_633 : i32 to vector<1x128xi32>
    %add3A_635 = arith.addi %iota3A, %add3A_634 : vector<1x128xi32>
    %broadcast_in_dim3A_636 = vector.shape_cast %add3A_635 : vector<1x128xi32> to vector<1x128xi32>
    %broadcast_in_dim3A_637 = vector.broadcast %broadcast_in_dim3A_636 : vector<1x128xi32> to vector<2048x128xi32>
    %select_n3A_638 = arith.select %lt3A_632, %broadcast_in_dim3A_637, %select_n3A_621 : vector<2048x128xi1>, vector<2048x128xi32>
    %min3A_639 = arith.minimumf %add3A_631, %min3A_622 : vector<2048x128xf32>
    %slice3A_640 = vector.extract_strided_slice %dot_general3A_571 {offsets = [0, 512], sizes = [2048, 128], strides = [1, 1]} : vector<2048x1024xf32> to vector<2048x128xf32>
    %sub3A_641 = arith.subf %broadcast_in_dim3A_4, %slice3A_640 : vector<2048x128xf32>
    %get3A_642 = arith.constant 36 : index
    %get3A_643 = arith.constant 0 : index
    %get3A_644 = vector.load %arg3[%get3A_642, %get3A_643] : memref<64x128xf32, #tpu.memory_space<vmem>>, vector<1x128xf32>
    %get3A_645 = vector.shape_cast %get3A_644 : vector<1x128xf32> to vector<128xf32>
    %broadcast_in_dim3A_646 = vector.shape_cast %get3A_645 : vector<128xf32> to vector<1x128xf32>
    %add3A_647 = vector.broadcast %broadcast_in_dim3A_646 : vector<1x128xf32> to vector<2048x128xf32>
    %add3A_648 = arith.addf %sub3A_641, %add3A_647 : vector<2048x128xf32>
    %lt3A_649 = arith.cmpf olt, %add3A_648, %min3A_639 : vector<2048x128xf32>
    %add3A_650 = arith.constant 4608 : i32
    %add3A_651 = vector.broadcast %add3A_650 : i32 to vector<1x128xi32>
    %add3A_652 = arith.addi %iota3A, %add3A_651 : vector<1x128xi32>
    %broadcast_in_dim3A_653 = vector.shape_cast %add3A_652 : vector<1x128xi32> to vector<1x128xi32>
    %broadcast_in_dim3A_654 = vector.broadcast %broadcast_in_dim3A_653 : vector<1x128xi32> to vector<2048x128xi32>
    %select_n3A_655 = arith.select %lt3A_649, %broadcast_in_dim3A_654, %select_n3A_638 : vector<2048x128xi1>, vector<2048x128xi32>
    %min3A_656 = arith.minimumf %add3A_648, %min3A_639 : vector<2048x128xf32>
    %slice3A_657 = vector.extract_strided_slice %dot_general3A_571 {offsets = [0, 640], sizes = [2048, 128], strides = [1, 1]} : vector<2048x1024xf32> to vector<2048x128xf32>
    %sub3A_658 = arith.subf %broadcast_in_dim3A_4, %slice3A_657 : vector<2048x128xf32>
    %get3A_659 = arith.constant 37 : index
    %get3A_660 = arith.constant 0 : index
    %get3A_661 = vector.load %arg3[%get3A_659, %get3A_660] : memref<64x128xf32, #tpu.memory_space<vmem>>, vector<1x128xf32>
    %get3A_662 = vector.shape_cast %get3A_661 : vector<1x128xf32> to vector<128xf32>
    %broadcast_in_dim3A_663 = vector.shape_cast %get3A_662 : vector<128xf32> to vector<1x128xf32>
    %add3A_664 = vector.broadcast %broadcast_in_dim3A_663 : vector<1x128xf32> to vector<2048x128xf32>
    %add3A_665 = arith.addf %sub3A_658, %add3A_664 : vector<2048x128xf32>
    %lt3A_666 = arith.cmpf olt, %add3A_665, %min3A_656 : vector<2048x128xf32>
    %add3A_667 = arith.constant 4736 : i32
    %add3A_668 = vector.broadcast %add3A_667 : i32 to vector<1x128xi32>
    %add3A_669 = arith.addi %iota3A, %add3A_668 : vector<1x128xi32>
    %broadcast_in_dim3A_670 = vector.shape_cast %add3A_669 : vector<1x128xi32> to vector<1x128xi32>
    %broadcast_in_dim3A_671 = vector.broadcast %broadcast_in_dim3A_670 : vector<1x128xi32> to vector<2048x128xi32>
    %select_n3A_672 = arith.select %lt3A_666, %broadcast_in_dim3A_671, %select_n3A_655 : vector<2048x128xi1>, vector<2048x128xi32>
    %min3A_673 = arith.minimumf %add3A_665, %min3A_656 : vector<2048x128xf32>
    %slice3A_674 = vector.extract_strided_slice %dot_general3A_571 {offsets = [0, 768], sizes = [2048, 128], strides = [1, 1]} : vector<2048x1024xf32> to vector<2048x128xf32>
    %sub3A_675 = arith.subf %broadcast_in_dim3A_4, %slice3A_674 : vector<2048x128xf32>
    %get3A_676 = arith.constant 38 : index
    %get3A_677 = arith.constant 0 : index
    %get3A_678 = vector.load %arg3[%get3A_676, %get3A_677] : memref<64x128xf32, #tpu.memory_space<vmem>>, vector<1x128xf32>
    %get3A_679 = vector.shape_cast %get3A_678 : vector<1x128xf32> to vector<128xf32>
    %broadcast_in_dim3A_680 = vector.shape_cast %get3A_679 : vector<128xf32> to vector<1x128xf32>
    %add3A_681 = vector.broadcast %broadcast_in_dim3A_680 : vector<1x128xf32> to vector<2048x128xf32>
    %add3A_682 = arith.addf %sub3A_675, %add3A_681 : vector<2048x128xf32>
    %lt3A_683 = arith.cmpf olt, %add3A_682, %min3A_673 : vector<2048x128xf32>
    %add3A_684 = arith.constant 4864 : i32
    %add3A_685 = vector.broadcast %add3A_684 : i32 to vector<1x128xi32>
    %add3A_686 = arith.addi %iota3A, %add3A_685 : vector<1x128xi32>
    %broadcast_in_dim3A_687 = vector.shape_cast %add3A_686 : vector<1x128xi32> to vector<1x128xi32>
    %broadcast_in_dim3A_688 = vector.broadcast %broadcast_in_dim3A_687 : vector<1x128xi32> to vector<2048x128xi32>
    %select_n3A_689 = arith.select %lt3A_683, %broadcast_in_dim3A_688, %select_n3A_672 : vector<2048x128xi1>, vector<2048x128xi32>
    %min3A_690 = arith.minimumf %add3A_682, %min3A_673 : vector<2048x128xf32>
    %slice3A_691 = vector.extract_strided_slice %dot_general3A_571 {offsets = [0, 896], sizes = [2048, 128], strides = [1, 1]} : vector<2048x1024xf32> to vector<2048x128xf32>
    %sub3A_692 = arith.subf %broadcast_in_dim3A_4, %slice3A_691 : vector<2048x128xf32>
    %get3A_693 = arith.constant 39 : index
    %get3A_694 = arith.constant 0 : index
    %get3A_695 = vector.load %arg3[%get3A_693, %get3A_694] : memref<64x128xf32, #tpu.memory_space<vmem>>, vector<1x128xf32>
    %get3A_696 = vector.shape_cast %get3A_695 : vector<1x128xf32> to vector<128xf32>
    %broadcast_in_dim3A_697 = vector.shape_cast %get3A_696 : vector<128xf32> to vector<1x128xf32>
    %add3A_698 = vector.broadcast %broadcast_in_dim3A_697 : vector<1x128xf32> to vector<2048x128xf32>
    %add3A_699 = arith.addf %sub3A_692, %add3A_698 : vector<2048x128xf32>
    %lt3A_700 = arith.cmpf olt, %add3A_699, %min3A_690 : vector<2048x128xf32>
    %add3A_701 = arith.constant 4992 : i32
    %add3A_702 = vector.broadcast %add3A_701 : i32 to vector<1x128xi32>
    %add3A_703 = arith.addi %iota3A, %add3A_702 : vector<1x128xi32>
    %broadcast_in_dim3A_704 = vector.shape_cast %add3A_703 : vector<1x128xi32> to vector<1x128xi32>
    %broadcast_in_dim3A_705 = vector.broadcast %broadcast_in_dim3A_704 : vector<1x128xi32> to vector<2048x128xi32>
    %select_n3A_706 = arith.select %lt3A_700, %broadcast_in_dim3A_705, %select_n3A_689 : vector<2048x128xi1>, vector<2048x128xi32>
    %min3A_707 = arith.minimumf %add3A_699, %min3A_690 : vector<2048x128xf32>
    %get3A_708 = arith.constant 5120 : index
    %get3A_709 = arith.constant 0 : index
    %get3A_710 = vector.load %arg2[%get3A_708, %get3A_709] : memref<8192x256xf32, #tpu.memory_space<vmem>>, vector<1024x256xf32>
    %dot_general3A_711 = arith.constant dense<0.000000e+00> : vector<2048x1024xf32>
    %dot_general3A_712 = tpu.matmul %add3A, %get3A_710, %dot_general3A_711 {dimension_numbers = #tpu.dot_dimension_numbers<[1], [1], [0], [0], [0, 0, 1, 0], [], []>, transpose_lhs_hint = false} : vector<2048x256xf32>, vector<1024x256xf32>, vector<2048x1024xf32> -> vector<2048x1024xf32>
    %slice3A_713 = vector.extract_strided_slice %dot_general3A_712 {offsets = [0, 0], sizes = [2048, 128], strides = [1, 1]} : vector<2048x1024xf32> to vector<2048x128xf32>
    %sub3A_714 = arith.subf %broadcast_in_dim3A_4, %slice3A_713 : vector<2048x128xf32>
    %get3A_715 = arith.constant 40 : index
    %get3A_716 = arith.constant 0 : index
    %get3A_717 = vector.load %arg3[%get3A_715, %get3A_716] : memref<64x128xf32, #tpu.memory_space<vmem>>, vector<1x128xf32>
    %get3A_718 = vector.shape_cast %get3A_717 : vector<1x128xf32> to vector<128xf32>
    %broadcast_in_dim3A_719 = vector.shape_cast %get3A_718 : vector<128xf32> to vector<1x128xf32>
    %add3A_720 = vector.broadcast %broadcast_in_dim3A_719 : vector<1x128xf32> to vector<2048x128xf32>
    %add3A_721 = arith.addf %sub3A_714, %add3A_720 : vector<2048x128xf32>
    %lt3A_722 = arith.cmpf olt, %add3A_721, %min3A_707 : vector<2048x128xf32>
    %add3A_723 = arith.constant 5120 : i32
    %add3A_724 = vector.broadcast %add3A_723 : i32 to vector<1x128xi32>
    %add3A_725 = arith.addi %iota3A, %add3A_724 : vector<1x128xi32>
    %broadcast_in_dim3A_726 = vector.shape_cast %add3A_725 : vector<1x128xi32> to vector<1x128xi32>
    %broadcast_in_dim3A_727 = vector.broadcast %broadcast_in_dim3A_726 : vector<1x128xi32> to vector<2048x128xi32>
    %select_n3A_728 = arith.select %lt3A_722, %broadcast_in_dim3A_727, %select_n3A_706 : vector<2048x128xi1>, vector<2048x128xi32>
    %min3A_729 = arith.minimumf %add3A_721, %min3A_707 : vector<2048x128xf32>
    %slice3A_730 = vector.extract_strided_slice %dot_general3A_712 {offsets = [0, 128], sizes = [2048, 128], strides = [1, 1]} : vector<2048x1024xf32> to vector<2048x128xf32>
    %sub3A_731 = arith.subf %broadcast_in_dim3A_4, %slice3A_730 : vector<2048x128xf32>
    %get3A_732 = arith.constant 41 : index
    %get3A_733 = arith.constant 0 : index
    %get3A_734 = vector.load %arg3[%get3A_732, %get3A_733] : memref<64x128xf32, #tpu.memory_space<vmem>>, vector<1x128xf32>
    %get3A_735 = vector.shape_cast %get3A_734 : vector<1x128xf32> to vector<128xf32>
    %broadcast_in_dim3A_736 = vector.shape_cast %get3A_735 : vector<128xf32> to vector<1x128xf32>
    %add3A_737 = vector.broadcast %broadcast_in_dim3A_736 : vector<1x128xf32> to vector<2048x128xf32>
    %add3A_738 = arith.addf %sub3A_731, %add3A_737 : vector<2048x128xf32>
    %lt3A_739 = arith.cmpf olt, %add3A_738, %min3A_729 : vector<2048x128xf32>
    %add3A_740 = arith.constant 5248 : i32
    %add3A_741 = vector.broadcast %add3A_740 : i32 to vector<1x128xi32>
    %add3A_742 = arith.addi %iota3A, %add3A_741 : vector<1x128xi32>
    %broadcast_in_dim3A_743 = vector.shape_cast %add3A_742 : vector<1x128xi32> to vector<1x128xi32>
    %broadcast_in_dim3A_744 = vector.broadcast %broadcast_in_dim3A_743 : vector<1x128xi32> to vector<2048x128xi32>
    %select_n3A_745 = arith.select %lt3A_739, %broadcast_in_dim3A_744, %select_n3A_728 : vector<2048x128xi1>, vector<2048x128xi32>
    %min3A_746 = arith.minimumf %add3A_738, %min3A_729 : vector<2048x128xf32>
    %slice3A_747 = vector.extract_strided_slice %dot_general3A_712 {offsets = [0, 256], sizes = [2048, 128], strides = [1, 1]} : vector<2048x1024xf32> to vector<2048x128xf32>
    %sub3A_748 = arith.subf %broadcast_in_dim3A_4, %slice3A_747 : vector<2048x128xf32>
    %get3A_749 = arith.constant 42 : index
    %get3A_750 = arith.constant 0 : index
    %get3A_751 = vector.load %arg3[%get3A_749, %get3A_750] : memref<64x128xf32, #tpu.memory_space<vmem>>, vector<1x128xf32>
    %get3A_752 = vector.shape_cast %get3A_751 : vector<1x128xf32> to vector<128xf32>
    %broadcast_in_dim3A_753 = vector.shape_cast %get3A_752 : vector<128xf32> to vector<1x128xf32>
    %add3A_754 = vector.broadcast %broadcast_in_dim3A_753 : vector<1x128xf32> to vector<2048x128xf32>
    %add3A_755 = arith.addf %sub3A_748, %add3A_754 : vector<2048x128xf32>
    %lt3A_756 = arith.cmpf olt, %add3A_755, %min3A_746 : vector<2048x128xf32>
    %add3A_757 = arith.constant 5376 : i32
    %add3A_758 = vector.broadcast %add3A_757 : i32 to vector<1x128xi32>
    %add3A_759 = arith.addi %iota3A, %add3A_758 : vector<1x128xi32>
    %broadcast_in_dim3A_760 = vector.shape_cast %add3A_759 : vector<1x128xi32> to vector<1x128xi32>
    %broadcast_in_dim3A_761 = vector.broadcast %broadcast_in_dim3A_760 : vector<1x128xi32> to vector<2048x128xi32>
    %select_n3A_762 = arith.select %lt3A_756, %broadcast_in_dim3A_761, %select_n3A_745 : vector<2048x128xi1>, vector<2048x128xi32>
    %min3A_763 = arith.minimumf %add3A_755, %min3A_746 : vector<2048x128xf32>
    %slice3A_764 = vector.extract_strided_slice %dot_general3A_712 {offsets = [0, 384], sizes = [2048, 128], strides = [1, 1]} : vector<2048x1024xf32> to vector<2048x128xf32>
    %sub3A_765 = arith.subf %broadcast_in_dim3A_4, %slice3A_764 : vector<2048x128xf32>
    %get3A_766 = arith.constant 43 : index
    %get3A_767 = arith.constant 0 : index
    %get3A_768 = vector.load %arg3[%get3A_766, %get3A_767] : memref<64x128xf32, #tpu.memory_space<vmem>>, vector<1x128xf32>
    %get3A_769 = vector.shape_cast %get3A_768 : vector<1x128xf32> to vector<128xf32>
    %broadcast_in_dim3A_770 = vector.shape_cast %get3A_769 : vector<128xf32> to vector<1x128xf32>
    %add3A_771 = vector.broadcast %broadcast_in_dim3A_770 : vector<1x128xf32> to vector<2048x128xf32>
    %add3A_772 = arith.addf %sub3A_765, %add3A_771 : vector<2048x128xf32>
    %lt3A_773 = arith.cmpf olt, %add3A_772, %min3A_763 : vector<2048x128xf32>
    %add3A_774 = arith.constant 5504 : i32
    %add3A_775 = vector.broadcast %add3A_774 : i32 to vector<1x128xi32>
    %add3A_776 = arith.addi %iota3A, %add3A_775 : vector<1x128xi32>
    %broadcast_in_dim3A_777 = vector.shape_cast %add3A_776 : vector<1x128xi32> to vector<1x128xi32>
    %broadcast_in_dim3A_778 = vector.broadcast %broadcast_in_dim3A_777 : vector<1x128xi32> to vector<2048x128xi32>
    %select_n3A_779 = arith.select %lt3A_773, %broadcast_in_dim3A_778, %select_n3A_762 : vector<2048x128xi1>, vector<2048x128xi32>
    %min3A_780 = arith.minimumf %add3A_772, %min3A_763 : vector<2048x128xf32>
    %slice3A_781 = vector.extract_strided_slice %dot_general3A_712 {offsets = [0, 512], sizes = [2048, 128], strides = [1, 1]} : vector<2048x1024xf32> to vector<2048x128xf32>
    %sub3A_782 = arith.subf %broadcast_in_dim3A_4, %slice3A_781 : vector<2048x128xf32>
    %get3A_783 = arith.constant 44 : index
    %get3A_784 = arith.constant 0 : index
    %get3A_785 = vector.load %arg3[%get3A_783, %get3A_784] : memref<64x128xf32, #tpu.memory_space<vmem>>, vector<1x128xf32>
    %get3A_786 = vector.shape_cast %get3A_785 : vector<1x128xf32> to vector<128xf32>
    %broadcast_in_dim3A_787 = vector.shape_cast %get3A_786 : vector<128xf32> to vector<1x128xf32>
    %add3A_788 = vector.broadcast %broadcast_in_dim3A_787 : vector<1x128xf32> to vector<2048x128xf32>
    %add3A_789 = arith.addf %sub3A_782, %add3A_788 : vector<2048x128xf32>
    %lt3A_790 = arith.cmpf olt, %add3A_789, %min3A_780 : vector<2048x128xf32>
    %add3A_791 = arith.constant 5632 : i32
    %add3A_792 = vector.broadcast %add3A_791 : i32 to vector<1x128xi32>
    %add3A_793 = arith.addi %iota3A, %add3A_792 : vector<1x128xi32>
    %broadcast_in_dim3A_794 = vector.shape_cast %add3A_793 : vector<1x128xi32> to vector<1x128xi32>
    %broadcast_in_dim3A_795 = vector.broadcast %broadcast_in_dim3A_794 : vector<1x128xi32> to vector<2048x128xi32>
    %select_n3A_796 = arith.select %lt3A_790, %broadcast_in_dim3A_795, %select_n3A_779 : vector<2048x128xi1>, vector<2048x128xi32>
    %min3A_797 = arith.minimumf %add3A_789, %min3A_780 : vector<2048x128xf32>
    %slice3A_798 = vector.extract_strided_slice %dot_general3A_712 {offsets = [0, 640], sizes = [2048, 128], strides = [1, 1]} : vector<2048x1024xf32> to vector<2048x128xf32>
    %sub3A_799 = arith.subf %broadcast_in_dim3A_4, %slice3A_798 : vector<2048x128xf32>
    %get3A_800 = arith.constant 45 : index
    %get3A_801 = arith.constant 0 : index
    %get3A_802 = vector.load %arg3[%get3A_800, %get3A_801] : memref<64x128xf32, #tpu.memory_space<vmem>>, vector<1x128xf32>
    %get3A_803 = vector.shape_cast %get3A_802 : vector<1x128xf32> to vector<128xf32>
    %broadcast_in_dim3A_804 = vector.shape_cast %get3A_803 : vector<128xf32> to vector<1x128xf32>
    %add3A_805 = vector.broadcast %broadcast_in_dim3A_804 : vector<1x128xf32> to vector<2048x128xf32>
    %add3A_806 = arith.addf %sub3A_799, %add3A_805 : vector<2048x128xf32>
    %lt3A_807 = arith.cmpf olt, %add3A_806, %min3A_797 : vector<2048x128xf32>
    %add3A_808 = arith.constant 5760 : i32
    %add3A_809 = vector.broadcast %add3A_808 : i32 to vector<1x128xi32>
    %add3A_810 = arith.addi %iota3A, %add3A_809 : vector<1x128xi32>
    %broadcast_in_dim3A_811 = vector.shape_cast %add3A_810 : vector<1x128xi32> to vector<1x128xi32>
    %broadcast_in_dim3A_812 = vector.broadcast %broadcast_in_dim3A_811 : vector<1x128xi32> to vector<2048x128xi32>
    %select_n3A_813 = arith.select %lt3A_807, %broadcast_in_dim3A_812, %select_n3A_796 : vector<2048x128xi1>, vector<2048x128xi32>
    %min3A_814 = arith.minimumf %add3A_806, %min3A_797 : vector<2048x128xf32>
    %slice3A_815 = vector.extract_strided_slice %dot_general3A_712 {offsets = [0, 768], sizes = [2048, 128], strides = [1, 1]} : vector<2048x1024xf32> to vector<2048x128xf32>
    %sub3A_816 = arith.subf %broadcast_in_dim3A_4, %slice3A_815 : vector<2048x128xf32>
    %get3A_817 = arith.constant 46 : index
    %get3A_818 = arith.constant 0 : index
    %get3A_819 = vector.load %arg3[%get3A_817, %get3A_818] : memref<64x128xf32, #tpu.memory_space<vmem>>, vector<1x128xf32>
    %get3A_820 = vector.shape_cast %get3A_819 : vector<1x128xf32> to vector<128xf32>
    %broadcast_in_dim3A_821 = vector.shape_cast %get3A_820 : vector<128xf32> to vector<1x128xf32>
    %add3A_822 = vector.broadcast %broadcast_in_dim3A_821 : vector<1x128xf32> to vector<2048x128xf32>
    %add3A_823 = arith.addf %sub3A_816, %add3A_822 : vector<2048x128xf32>
    %lt3A_824 = arith.cmpf olt, %add3A_823, %min3A_814 : vector<2048x128xf32>
    %add3A_825 = arith.constant 5888 : i32
    %add3A_826 = vector.broadcast %add3A_825 : i32 to vector<1x128xi32>
    %add3A_827 = arith.addi %iota3A, %add3A_826 : vector<1x128xi32>
    %broadcast_in_dim3A_828 = vector.shape_cast %add3A_827 : vector<1x128xi32> to vector<1x128xi32>
    %broadcast_in_dim3A_829 = vector.broadcast %broadcast_in_dim3A_828 : vector<1x128xi32> to vector<2048x128xi32>
    %select_n3A_830 = arith.select %lt3A_824, %broadcast_in_dim3A_829, %select_n3A_813 : vector<2048x128xi1>, vector<2048x128xi32>
    %min3A_831 = arith.minimumf %add3A_823, %min3A_814 : vector<2048x128xf32>
    %slice3A_832 = vector.extract_strided_slice %dot_general3A_712 {offsets = [0, 896], sizes = [2048, 128], strides = [1, 1]} : vector<2048x1024xf32> to vector<2048x128xf32>
    %sub3A_833 = arith.subf %broadcast_in_dim3A_4, %slice3A_832 : vector<2048x128xf32>
    %get3A_834 = arith.constant 47 : index
    %get3A_835 = arith.constant 0 : index
    %get3A_836 = vector.load %arg3[%get3A_834, %get3A_835] : memref<64x128xf32, #tpu.memory_space<vmem>>, vector<1x128xf32>
    %get3A_837 = vector.shape_cast %get3A_836 : vector<1x128xf32> to vector<128xf32>
    %broadcast_in_dim3A_838 = vector.shape_cast %get3A_837 : vector<128xf32> to vector<1x128xf32>
    %add3A_839 = vector.broadcast %broadcast_in_dim3A_838 : vector<1x128xf32> to vector<2048x128xf32>
    %add3A_840 = arith.addf %sub3A_833, %add3A_839 : vector<2048x128xf32>
    %lt3A_841 = arith.cmpf olt, %add3A_840, %min3A_831 : vector<2048x128xf32>
    %add3A_842 = arith.constant 6016 : i32
    %add3A_843 = vector.broadcast %add3A_842 : i32 to vector<1x128xi32>
    %add3A_844 = arith.addi %iota3A, %add3A_843 : vector<1x128xi32>
    %broadcast_in_dim3A_845 = vector.shape_cast %add3A_844 : vector<1x128xi32> to vector<1x128xi32>
    %broadcast_in_dim3A_846 = vector.broadcast %broadcast_in_dim3A_845 : vector<1x128xi32> to vector<2048x128xi32>
    %select_n3A_847 = arith.select %lt3A_841, %broadcast_in_dim3A_846, %select_n3A_830 : vector<2048x128xi1>, vector<2048x128xi32>
    %min3A_848 = arith.minimumf %add3A_840, %min3A_831 : vector<2048x128xf32>
    %get3A_849 = arith.constant 6144 : index
    %get3A_850 = arith.constant 0 : index
    %get3A_851 = vector.load %arg2[%get3A_849, %get3A_850] : memref<8192x256xf32, #tpu.memory_space<vmem>>, vector<1024x256xf32>
    %dot_general3A_852 = arith.constant dense<0.000000e+00> : vector<2048x1024xf32>
    %dot_general3A_853 = tpu.matmul %add3A, %get3A_851, %dot_general3A_852 {dimension_numbers = #tpu.dot_dimension_numbers<[1], [1], [0], [0], [0, 0, 1, 0], [], []>, transpose_lhs_hint = false} : vector<2048x256xf32>, vector<1024x256xf32>, vector<2048x1024xf32> -> vector<2048x1024xf32>
    %slice3A_854 = vector.extract_strided_slice %dot_general3A_853 {offsets = [0, 0], sizes = [2048, 128], strides = [1, 1]} : vector<2048x1024xf32> to vector<2048x128xf32>
    %sub3A_855 = arith.subf %broadcast_in_dim3A_4, %slice3A_854 : vector<2048x128xf32>
    %get3A_856 = arith.constant 48 : index
    %get3A_857 = arith.constant 0 : index
    %get3A_858 = vector.load %arg3[%get3A_856, %get3A_857] : memref<64x128xf32, #tpu.memory_space<vmem>>, vector<1x128xf32>
    %get3A_859 = vector.shape_cast %get3A_858 : vector<1x128xf32> to vector<128xf32>
    %broadcast_in_dim3A_860 = vector.shape_cast %get3A_859 : vector<128xf32> to vector<1x128xf32>
    %add3A_861 = vector.broadcast %broadcast_in_dim3A_860 : vector<1x128xf32> to vector<2048x128xf32>
    %add3A_862 = arith.addf %sub3A_855, %add3A_861 : vector<2048x128xf32>
    %lt3A_863 = arith.cmpf olt, %add3A_862, %min3A_848 : vector<2048x128xf32>
    %add3A_864 = arith.constant 6144 : i32
    %add3A_865 = vector.broadcast %add3A_864 : i32 to vector<1x128xi32>
    %add3A_866 = arith.addi %iota3A, %add3A_865 : vector<1x128xi32>
    %broadcast_in_dim3A_867 = vector.shape_cast %add3A_866 : vector<1x128xi32> to vector<1x128xi32>
    %broadcast_in_dim3A_868 = vector.broadcast %broadcast_in_dim3A_867 : vector<1x128xi32> to vector<2048x128xi32>
    %select_n3A_869 = arith.select %lt3A_863, %broadcast_in_dim3A_868, %select_n3A_847 : vector<2048x128xi1>, vector<2048x128xi32>
    %min3A_870 = arith.minimumf %add3A_862, %min3A_848 : vector<2048x128xf32>
    %slice3A_871 = vector.extract_strided_slice %dot_general3A_853 {offsets = [0, 128], sizes = [2048, 128], strides = [1, 1]} : vector<2048x1024xf32> to vector<2048x128xf32>
    %sub3A_872 = arith.subf %broadcast_in_dim3A_4, %slice3A_871 : vector<2048x128xf32>
    %get3A_873 = arith.constant 49 : index
    %get3A_874 = arith.constant 0 : index
    %get3A_875 = vector.load %arg3[%get3A_873, %get3A_874] : memref<64x128xf32, #tpu.memory_space<vmem>>, vector<1x128xf32>
    %get3A_876 = vector.shape_cast %get3A_875 : vector<1x128xf32> to vector<128xf32>
    %broadcast_in_dim3A_877 = vector.shape_cast %get3A_876 : vector<128xf32> to vector<1x128xf32>
    %add3A_878 = vector.broadcast %broadcast_in_dim3A_877 : vector<1x128xf32> to vector<2048x128xf32>
    %add3A_879 = arith.addf %sub3A_872, %add3A_878 : vector<2048x128xf32>
    %lt3A_880 = arith.cmpf olt, %add3A_879, %min3A_870 : vector<2048x128xf32>
    %add3A_881 = arith.constant 6272 : i32
    %add3A_882 = vector.broadcast %add3A_881 : i32 to vector<1x128xi32>
    %add3A_883 = arith.addi %iota3A, %add3A_882 : vector<1x128xi32>
    %broadcast_in_dim3A_884 = vector.shape_cast %add3A_883 : vector<1x128xi32> to vector<1x128xi32>
    %broadcast_in_dim3A_885 = vector.broadcast %broadcast_in_dim3A_884 : vector<1x128xi32> to vector<2048x128xi32>
    %select_n3A_886 = arith.select %lt3A_880, %broadcast_in_dim3A_885, %select_n3A_869 : vector<2048x128xi1>, vector<2048x128xi32>
    %min3A_887 = arith.minimumf %add3A_879, %min3A_870 : vector<2048x128xf32>
    %slice3A_888 = vector.extract_strided_slice %dot_general3A_853 {offsets = [0, 256], sizes = [2048, 128], strides = [1, 1]} : vector<2048x1024xf32> to vector<2048x128xf32>
    %sub3A_889 = arith.subf %broadcast_in_dim3A_4, %slice3A_888 : vector<2048x128xf32>
    %get3A_890 = arith.constant 50 : index
    %get3A_891 = arith.constant 0 : index
    %get3A_892 = vector.load %arg3[%get3A_890, %get3A_891] : memref<64x128xf32, #tpu.memory_space<vmem>>, vector<1x128xf32>
    %get3A_893 = vector.shape_cast %get3A_892 : vector<1x128xf32> to vector<128xf32>
    %broadcast_in_dim3A_894 = vector.shape_cast %get3A_893 : vector<128xf32> to vector<1x128xf32>
    %add3A_895 = vector.broadcast %broadcast_in_dim3A_894 : vector<1x128xf32> to vector<2048x128xf32>
    %add3A_896 = arith.addf %sub3A_889, %add3A_895 : vector<2048x128xf32>
    %lt3A_897 = arith.cmpf olt, %add3A_896, %min3A_887 : vector<2048x128xf32>
    %add3A_898 = arith.constant 6400 : i32
    %add3A_899 = vector.broadcast %add3A_898 : i32 to vector<1x128xi32>
    %add3A_900 = arith.addi %iota3A, %add3A_899 : vector<1x128xi32>
    %broadcast_in_dim3A_901 = vector.shape_cast %add3A_900 : vector<1x128xi32> to vector<1x128xi32>
    %broadcast_in_dim3A_902 = vector.broadcast %broadcast_in_dim3A_901 : vector<1x128xi32> to vector<2048x128xi32>
    %select_n3A_903 = arith.select %lt3A_897, %broadcast_in_dim3A_902, %select_n3A_886 : vector<2048x128xi1>, vector<2048x128xi32>
    %min3A_904 = arith.minimumf %add3A_896, %min3A_887 : vector<2048x128xf32>
    %slice3A_905 = vector.extract_strided_slice %dot_general3A_853 {offsets = [0, 384], sizes = [2048, 128], strides = [1, 1]} : vector<2048x1024xf32> to vector<2048x128xf32>
    %sub3A_906 = arith.subf %broadcast_in_dim3A_4, %slice3A_905 : vector<2048x128xf32>
    %get3A_907 = arith.constant 51 : index
    %get3A_908 = arith.constant 0 : index
    %get3A_909 = vector.load %arg3[%get3A_907, %get3A_908] : memref<64x128xf32, #tpu.memory_space<vmem>>, vector<1x128xf32>
    %get3A_910 = vector.shape_cast %get3A_909 : vector<1x128xf32> to vector<128xf32>
    %broadcast_in_dim3A_911 = vector.shape_cast %get3A_910 : vector<128xf32> to vector<1x128xf32>
    %add3A_912 = vector.broadcast %broadcast_in_dim3A_911 : vector<1x128xf32> to vector<2048x128xf32>
    %add3A_913 = arith.addf %sub3A_906, %add3A_912 : vector<2048x128xf32>
    %lt3A_914 = arith.cmpf olt, %add3A_913, %min3A_904 : vector<2048x128xf32>
    %add3A_915 = arith.constant 6528 : i32
    %add3A_916 = vector.broadcast %add3A_915 : i32 to vector<1x128xi32>
    %add3A_917 = arith.addi %iota3A, %add3A_916 : vector<1x128xi32>
    %broadcast_in_dim3A_918 = vector.shape_cast %add3A_917 : vector<1x128xi32> to vector<1x128xi32>
    %broadcast_in_dim3A_919 = vector.broadcast %broadcast_in_dim3A_918 : vector<1x128xi32> to vector<2048x128xi32>
    %select_n3A_920 = arith.select %lt3A_914, %broadcast_in_dim3A_919, %select_n3A_903 : vector<2048x128xi1>, vector<2048x128xi32>
    %min3A_921 = arith.minimumf %add3A_913, %min3A_904 : vector<2048x128xf32>
    %slice3A_922 = vector.extract_strided_slice %dot_general3A_853 {offsets = [0, 512], sizes = [2048, 128], strides = [1, 1]} : vector<2048x1024xf32> to vector<2048x128xf32>
    %sub3A_923 = arith.subf %broadcast_in_dim3A_4, %slice3A_922 : vector<2048x128xf32>
    %get3A_924 = arith.constant 52 : index
    %get3A_925 = arith.constant 0 : index
    %get3A_926 = vector.load %arg3[%get3A_924, %get3A_925] : memref<64x128xf32, #tpu.memory_space<vmem>>, vector<1x128xf32>
    %get3A_927 = vector.shape_cast %get3A_926 : vector<1x128xf32> to vector<128xf32>
    %broadcast_in_dim3A_928 = vector.shape_cast %get3A_927 : vector<128xf32> to vector<1x128xf32>
    %add3A_929 = vector.broadcast %broadcast_in_dim3A_928 : vector<1x128xf32> to vector<2048x128xf32>
    %add3A_930 = arith.addf %sub3A_923, %add3A_929 : vector<2048x128xf32>
    %lt3A_931 = arith.cmpf olt, %add3A_930, %min3A_921 : vector<2048x128xf32>
    %add3A_932 = arith.constant 6656 : i32
    %add3A_933 = vector.broadcast %add3A_932 : i32 to vector<1x128xi32>
    %add3A_934 = arith.addi %iota3A, %add3A_933 : vector<1x128xi32>
    %broadcast_in_dim3A_935 = vector.shape_cast %add3A_934 : vector<1x128xi32> to vector<1x128xi32>
    %broadcast_in_dim3A_936 = vector.broadcast %broadcast_in_dim3A_935 : vector<1x128xi32> to vector<2048x128xi32>
    %select_n3A_937 = arith.select %lt3A_931, %broadcast_in_dim3A_936, %select_n3A_920 : vector<2048x128xi1>, vector<2048x128xi32>
    %min3A_938 = arith.minimumf %add3A_930, %min3A_921 : vector<2048x128xf32>
    %slice3A_939 = vector.extract_strided_slice %dot_general3A_853 {offsets = [0, 640], sizes = [2048, 128], strides = [1, 1]} : vector<2048x1024xf32> to vector<2048x128xf32>
    %sub3A_940 = arith.subf %broadcast_in_dim3A_4, %slice3A_939 : vector<2048x128xf32>
    %get3A_941 = arith.constant 53 : index
    %get3A_942 = arith.constant 0 : index
    %get3A_943 = vector.load %arg3[%get3A_941, %get3A_942] : memref<64x128xf32, #tpu.memory_space<vmem>>, vector<1x128xf32>
    %get3A_944 = vector.shape_cast %get3A_943 : vector<1x128xf32> to vector<128xf32>
    %broadcast_in_dim3A_945 = vector.shape_cast %get3A_944 : vector<128xf32> to vector<1x128xf32>
    %add3A_946 = vector.broadcast %broadcast_in_dim3A_945 : vector<1x128xf32> to vector<2048x128xf32>
    %add3A_947 = arith.addf %sub3A_940, %add3A_946 : vector<2048x128xf32>
    %lt3A_948 = arith.cmpf olt, %add3A_947, %min3A_938 : vector<2048x128xf32>
    %add3A_949 = arith.constant 6784 : i32
    %add3A_950 = vector.broadcast %add3A_949 : i32 to vector<1x128xi32>
    %add3A_951 = arith.addi %iota3A, %add3A_950 : vector<1x128xi32>
    %broadcast_in_dim3A_952 = vector.shape_cast %add3A_951 : vector<1x128xi32> to vector<1x128xi32>
    %broadcast_in_dim3A_953 = vector.broadcast %broadcast_in_dim3A_952 : vector<1x128xi32> to vector<2048x128xi32>
    %select_n3A_954 = arith.select %lt3A_948, %broadcast_in_dim3A_953, %select_n3A_937 : vector<2048x128xi1>, vector<2048x128xi32>
    %min3A_955 = arith.minimumf %add3A_947, %min3A_938 : vector<2048x128xf32>
    %slice3A_956 = vector.extract_strided_slice %dot_general3A_853 {offsets = [0, 768], sizes = [2048, 128], strides = [1, 1]} : vector<2048x1024xf32> to vector<2048x128xf32>
    %sub3A_957 = arith.subf %broadcast_in_dim3A_4, %slice3A_956 : vector<2048x128xf32>
    %get3A_958 = arith.constant 54 : index
    %get3A_959 = arith.constant 0 : index
    %get3A_960 = vector.load %arg3[%get3A_958, %get3A_959] : memref<64x128xf32, #tpu.memory_space<vmem>>, vector<1x128xf32>
    %get3A_961 = vector.shape_cast %get3A_960 : vector<1x128xf32> to vector<128xf32>
    %broadcast_in_dim3A_962 = vector.shape_cast %get3A_961 : vector<128xf32> to vector<1x128xf32>
    %add3A_963 = vector.broadcast %broadcast_in_dim3A_962 : vector<1x128xf32> to vector<2048x128xf32>
    %add3A_964 = arith.addf %sub3A_957, %add3A_963 : vector<2048x128xf32>
    %lt3A_965 = arith.cmpf olt, %add3A_964, %min3A_955 : vector<2048x128xf32>
    %add3A_966 = arith.constant 6912 : i32
    %add3A_967 = vector.broadcast %add3A_966 : i32 to vector<1x128xi32>
    %add3A_968 = arith.addi %iota3A, %add3A_967 : vector<1x128xi32>
    %broadcast_in_dim3A_969 = vector.shape_cast %add3A_968 : vector<1x128xi32> to vector<1x128xi32>
    %broadcast_in_dim3A_970 = vector.broadcast %broadcast_in_dim3A_969 : vector<1x128xi32> to vector<2048x128xi32>
    %select_n3A_971 = arith.select %lt3A_965, %broadcast_in_dim3A_970, %select_n3A_954 : vector<2048x128xi1>, vector<2048x128xi32>
    %min3A_972 = arith.minimumf %add3A_964, %min3A_955 : vector<2048x128xf32>
    %slice3A_973 = vector.extract_strided_slice %dot_general3A_853 {offsets = [0, 896], sizes = [2048, 128], strides = [1, 1]} : vector<2048x1024xf32> to vector<2048x128xf32>
    %sub3A_974 = arith.subf %broadcast_in_dim3A_4, %slice3A_973 : vector<2048x128xf32>
    %get3A_975 = arith.constant 55 : index
    %get3A_976 = arith.constant 0 : index
    %get3A_977 = vector.load %arg3[%get3A_975, %get3A_976] : memref<64x128xf32, #tpu.memory_space<vmem>>, vector<1x128xf32>
    %get3A_978 = vector.shape_cast %get3A_977 : vector<1x128xf32> to vector<128xf32>
    %broadcast_in_dim3A_979 = vector.shape_cast %get3A_978 : vector<128xf32> to vector<1x128xf32>
    %add3A_980 = vector.broadcast %broadcast_in_dim3A_979 : vector<1x128xf32> to vector<2048x128xf32>
    %add3A_981 = arith.addf %sub3A_974, %add3A_980 : vector<2048x128xf32>
    %lt3A_982 = arith.cmpf olt, %add3A_981, %min3A_972 : vector<2048x128xf32>
    %add3A_983 = arith.constant 7040 : i32
    %add3A_984 = vector.broadcast %add3A_983 : i32 to vector<1x128xi32>
    %add3A_985 = arith.addi %iota3A, %add3A_984 : vector<1x128xi32>
    %broadcast_in_dim3A_986 = vector.shape_cast %add3A_985 : vector<1x128xi32> to vector<1x128xi32>
    %broadcast_in_dim3A_987 = vector.broadcast %broadcast_in_dim3A_986 : vector<1x128xi32> to vector<2048x128xi32>
    %select_n3A_988 = arith.select %lt3A_982, %broadcast_in_dim3A_987, %select_n3A_971 : vector<2048x128xi1>, vector<2048x128xi32>
    %min3A_989 = arith.minimumf %add3A_981, %min3A_972 : vector<2048x128xf32>
    %get3A_990 = arith.constant 7168 : index
    %get3A_991 = arith.constant 0 : index
    %get3A_992 = vector.load %arg2[%get3A_990, %get3A_991] : memref<8192x256xf32, #tpu.memory_space<vmem>>, vector<1024x256xf32>
    %dot_general3A_993 = arith.constant dense<0.000000e+00> : vector<2048x1024xf32>
    %dot_general3A_994 = tpu.matmul %add3A, %get3A_992, %dot_general3A_993 {dimension_numbers = #tpu.dot_dimension_numbers<[1], [1], [0], [0], [0, 0, 1, 0], [], []>, transpose_lhs_hint = false} : vector<2048x256xf32>, vector<1024x256xf32>, vector<2048x1024xf32> -> vector<2048x1024xf32>
    %slice3A_995 = vector.extract_strided_slice %dot_general3A_994 {offsets = [0, 0], sizes = [2048, 128], strides = [1, 1]} : vector<2048x1024xf32> to vector<2048x128xf32>
    %sub3A_996 = arith.subf %broadcast_in_dim3A_4, %slice3A_995 : vector<2048x128xf32>
    %get3A_997 = arith.constant 56 : index
    %get3A_998 = arith.constant 0 : index
    %get3A_999 = vector.load %arg3[%get3A_997, %get3A_998] : memref<64x128xf32, #tpu.memory_space<vmem>>, vector<1x128xf32>
    %get3A_1000 = vector.shape_cast %get3A_999 : vector<1x128xf32> to vector<128xf32>
    %broadcast_in_dim3A_1001 = vector.shape_cast %get3A_1000 : vector<128xf32> to vector<1x128xf32>
    %add3A_1002 = vector.broadcast %broadcast_in_dim3A_1001 : vector<1x128xf32> to vector<2048x128xf32>
    %add3A_1003 = arith.addf %sub3A_996, %add3A_1002 : vector<2048x128xf32>
    %lt3A_1004 = arith.cmpf olt, %add3A_1003, %min3A_989 : vector<2048x128xf32>
    %add3A_1005 = arith.constant 7168 : i32
    %add3A_1006 = vector.broadcast %add3A_1005 : i32 to vector<1x128xi32>
    %add3A_1007 = arith.addi %iota3A, %add3A_1006 : vector<1x128xi32>
    %broadcast_in_dim3A_1008 = vector.shape_cast %add3A_1007 : vector<1x128xi32> to vector<1x128xi32>
    %broadcast_in_dim3A_1009 = vector.broadcast %broadcast_in_dim3A_1008 : vector<1x128xi32> to vector<2048x128xi32>
    %select_n3A_1010 = arith.select %lt3A_1004, %broadcast_in_dim3A_1009, %select_n3A_988 : vector<2048x128xi1>, vector<2048x128xi32>
    %min3A_1011 = arith.minimumf %add3A_1003, %min3A_989 : vector<2048x128xf32>
    %slice3A_1012 = vector.extract_strided_slice %dot_general3A_994 {offsets = [0, 128], sizes = [2048, 128], strides = [1, 1]} : vector<2048x1024xf32> to vector<2048x128xf32>
    %sub3A_1013 = arith.subf %broadcast_in_dim3A_4, %slice3A_1012 : vector<2048x128xf32>
    %get3A_1014 = arith.constant 57 : index
    %get3A_1015 = arith.constant 0 : index
    %get3A_1016 = vector.load %arg3[%get3A_1014, %get3A_1015] : memref<64x128xf32, #tpu.memory_space<vmem>>, vector<1x128xf32>
    %get3A_1017 = vector.shape_cast %get3A_1016 : vector<1x128xf32> to vector<128xf32>
    %broadcast_in_dim3A_1018 = vector.shape_cast %get3A_1017 : vector<128xf32> to vector<1x128xf32>
    %add3A_1019 = vector.broadcast %broadcast_in_dim3A_1018 : vector<1x128xf32> to vector<2048x128xf32>
    %add3A_1020 = arith.addf %sub3A_1013, %add3A_1019 : vector<2048x128xf32>
    %lt3A_1021 = arith.cmpf olt, %add3A_1020, %min3A_1011 : vector<2048x128xf32>
    %add3A_1022 = arith.constant 7296 : i32
    %add3A_1023 = vector.broadcast %add3A_1022 : i32 to vector<1x128xi32>
    %add3A_1024 = arith.addi %iota3A, %add3A_1023 : vector<1x128xi32>
    %broadcast_in_dim3A_1025 = vector.shape_cast %add3A_1024 : vector<1x128xi32> to vector<1x128xi32>
    %broadcast_in_dim3A_1026 = vector.broadcast %broadcast_in_dim3A_1025 : vector<1x128xi32> to vector<2048x128xi32>
    %select_n3A_1027 = arith.select %lt3A_1021, %broadcast_in_dim3A_1026, %select_n3A_1010 : vector<2048x128xi1>, vector<2048x128xi32>
    %min3A_1028 = arith.minimumf %add3A_1020, %min3A_1011 : vector<2048x128xf32>
    %slice3A_1029 = vector.extract_strided_slice %dot_general3A_994 {offsets = [0, 256], sizes = [2048, 128], strides = [1, 1]} : vector<2048x1024xf32> to vector<2048x128xf32>
    %sub3A_1030 = arith.subf %broadcast_in_dim3A_4, %slice3A_1029 : vector<2048x128xf32>
    %get3A_1031 = arith.constant 58 : index
    %get3A_1032 = arith.constant 0 : index
    %get3A_1033 = vector.load %arg3[%get3A_1031, %get3A_1032] : memref<64x128xf32, #tpu.memory_space<vmem>>, vector<1x128xf32>
    %get3A_1034 = vector.shape_cast %get3A_1033 : vector<1x128xf32> to vector<128xf32>
    %broadcast_in_dim3A_1035 = vector.shape_cast %get3A_1034 : vector<128xf32> to vector<1x128xf32>
    %add3A_1036 = vector.broadcast %broadcast_in_dim3A_1035 : vector<1x128xf32> to vector<2048x128xf32>
    %add3A_1037 = arith.addf %sub3A_1030, %add3A_1036 : vector<2048x128xf32>
    %lt3A_1038 = arith.cmpf olt, %add3A_1037, %min3A_1028 : vector<2048x128xf32>
    %add3A_1039 = arith.constant 7424 : i32
    %add3A_1040 = vector.broadcast %add3A_1039 : i32 to vector<1x128xi32>
    %add3A_1041 = arith.addi %iota3A, %add3A_1040 : vector<1x128xi32>
    %broadcast_in_dim3A_1042 = vector.shape_cast %add3A_1041 : vector<1x128xi32> to vector<1x128xi32>
    %broadcast_in_dim3A_1043 = vector.broadcast %broadcast_in_dim3A_1042 : vector<1x128xi32> to vector<2048x128xi32>
    %select_n3A_1044 = arith.select %lt3A_1038, %broadcast_in_dim3A_1043, %select_n3A_1027 : vector<2048x128xi1>, vector<2048x128xi32>
    %min3A_1045 = arith.minimumf %add3A_1037, %min3A_1028 : vector<2048x128xf32>
    %slice3A_1046 = vector.extract_strided_slice %dot_general3A_994 {offsets = [0, 384], sizes = [2048, 128], strides = [1, 1]} : vector<2048x1024xf32> to vector<2048x128xf32>
    %sub3A_1047 = arith.subf %broadcast_in_dim3A_4, %slice3A_1046 : vector<2048x128xf32>
    %get3A_1048 = arith.constant 59 : index
    %get3A_1049 = arith.constant 0 : index
    %get3A_1050 = vector.load %arg3[%get3A_1048, %get3A_1049] : memref<64x128xf32, #tpu.memory_space<vmem>>, vector<1x128xf32>
    %get3A_1051 = vector.shape_cast %get3A_1050 : vector<1x128xf32> to vector<128xf32>
    %broadcast_in_dim3A_1052 = vector.shape_cast %get3A_1051 : vector<128xf32> to vector<1x128xf32>
    %add3A_1053 = vector.broadcast %broadcast_in_dim3A_1052 : vector<1x128xf32> to vector<2048x128xf32>
    %add3A_1054 = arith.addf %sub3A_1047, %add3A_1053 : vector<2048x128xf32>
    %lt3A_1055 = arith.cmpf olt, %add3A_1054, %min3A_1045 : vector<2048x128xf32>
    %add3A_1056 = arith.constant 7552 : i32
    %add3A_1057 = vector.broadcast %add3A_1056 : i32 to vector<1x128xi32>
    %add3A_1058 = arith.addi %iota3A, %add3A_1057 : vector<1x128xi32>
    %broadcast_in_dim3A_1059 = vector.shape_cast %add3A_1058 : vector<1x128xi32> to vector<1x128xi32>
    %broadcast_in_dim3A_1060 = vector.broadcast %broadcast_in_dim3A_1059 : vector<1x128xi32> to vector<2048x128xi32>
    %select_n3A_1061 = arith.select %lt3A_1055, %broadcast_in_dim3A_1060, %select_n3A_1044 : vector<2048x128xi1>, vector<2048x128xi32>
    %min3A_1062 = arith.minimumf %add3A_1054, %min3A_1045 : vector<2048x128xf32>
    %slice3A_1063 = vector.extract_strided_slice %dot_general3A_994 {offsets = [0, 512], sizes = [2048, 128], strides = [1, 1]} : vector<2048x1024xf32> to vector<2048x128xf32>
    %sub3A_1064 = arith.subf %broadcast_in_dim3A_4, %slice3A_1063 : vector<2048x128xf32>
    %get3A_1065 = arith.constant 60 : index
    %get3A_1066 = arith.constant 0 : index
    %get3A_1067 = vector.load %arg3[%get3A_1065, %get3A_1066] : memref<64x128xf32, #tpu.memory_space<vmem>>, vector<1x128xf32>
    %get3A_1068 = vector.shape_cast %get3A_1067 : vector<1x128xf32> to vector<128xf32>
    %broadcast_in_dim3A_1069 = vector.shape_cast %get3A_1068 : vector<128xf32> to vector<1x128xf32>
    %add3A_1070 = vector.broadcast %broadcast_in_dim3A_1069 : vector<1x128xf32> to vector<2048x128xf32>
    %add3A_1071 = arith.addf %sub3A_1064, %add3A_1070 : vector<2048x128xf32>
    %lt3A_1072 = arith.cmpf olt, %add3A_1071, %min3A_1062 : vector<2048x128xf32>
    %add3A_1073 = arith.constant 7680 : i32
    %add3A_1074 = vector.broadcast %add3A_1073 : i32 to vector<1x128xi32>
    %add3A_1075 = arith.addi %iota3A, %add3A_1074 : vector<1x128xi32>
    %broadcast_in_dim3A_1076 = vector.shape_cast %add3A_1075 : vector<1x128xi32> to vector<1x128xi32>
    %broadcast_in_dim3A_1077 = vector.broadcast %broadcast_in_dim3A_1076 : vector<1x128xi32> to vector<2048x128xi32>
    %select_n3A_1078 = arith.select %lt3A_1072, %broadcast_in_dim3A_1077, %select_n3A_1061 : vector<2048x128xi1>, vector<2048x128xi32>
    %min3A_1079 = arith.minimumf %add3A_1071, %min3A_1062 : vector<2048x128xf32>
    %slice3A_1080 = vector.extract_strided_slice %dot_general3A_994 {offsets = [0, 640], sizes = [2048, 128], strides = [1, 1]} : vector<2048x1024xf32> to vector<2048x128xf32>
    %sub3A_1081 = arith.subf %broadcast_in_dim3A_4, %slice3A_1080 : vector<2048x128xf32>
    %get3A_1082 = arith.constant 61 : index
    %get3A_1083 = arith.constant 0 : index
    %get3A_1084 = vector.load %arg3[%get3A_1082, %get3A_1083] : memref<64x128xf32, #tpu.memory_space<vmem>>, vector<1x128xf32>
    %get3A_1085 = vector.shape_cast %get3A_1084 : vector<1x128xf32> to vector<128xf32>
    %broadcast_in_dim3A_1086 = vector.shape_cast %get3A_1085 : vector<128xf32> to vector<1x128xf32>
    %add3A_1087 = vector.broadcast %broadcast_in_dim3A_1086 : vector<1x128xf32> to vector<2048x128xf32>
    %add3A_1088 = arith.addf %sub3A_1081, %add3A_1087 : vector<2048x128xf32>
    %lt3A_1089 = arith.cmpf olt, %add3A_1088, %min3A_1079 : vector<2048x128xf32>
    %add3A_1090 = arith.constant 7808 : i32
    %add3A_1091 = vector.broadcast %add3A_1090 : i32 to vector<1x128xi32>
    %add3A_1092 = arith.addi %iota3A, %add3A_1091 : vector<1x128xi32>
    %broadcast_in_dim3A_1093 = vector.shape_cast %add3A_1092 : vector<1x128xi32> to vector<1x128xi32>
    %broadcast_in_dim3A_1094 = vector.broadcast %broadcast_in_dim3A_1093 : vector<1x128xi32> to vector<2048x128xi32>
    %select_n3A_1095 = arith.select %lt3A_1089, %broadcast_in_dim3A_1094, %select_n3A_1078 : vector<2048x128xi1>, vector<2048x128xi32>
    %min3A_1096 = arith.minimumf %add3A_1088, %min3A_1079 : vector<2048x128xf32>
    %slice3A_1097 = vector.extract_strided_slice %dot_general3A_994 {offsets = [0, 768], sizes = [2048, 128], strides = [1, 1]} : vector<2048x1024xf32> to vector<2048x128xf32>
    %sub3A_1098 = arith.subf %broadcast_in_dim3A_4, %slice3A_1097 : vector<2048x128xf32>
    %get3A_1099 = arith.constant 62 : index
    %get3A_1100 = arith.constant 0 : index
    %get3A_1101 = vector.load %arg3[%get3A_1099, %get3A_1100] : memref<64x128xf32, #tpu.memory_space<vmem>>, vector<1x128xf32>
    %get3A_1102 = vector.shape_cast %get3A_1101 : vector<1x128xf32> to vector<128xf32>
    %broadcast_in_dim3A_1103 = vector.shape_cast %get3A_1102 : vector<128xf32> to vector<1x128xf32>
    %add3A_1104 = vector.broadcast %broadcast_in_dim3A_1103 : vector<1x128xf32> to vector<2048x128xf32>
    %add3A_1105 = arith.addf %sub3A_1098, %add3A_1104 : vector<2048x128xf32>
    %lt3A_1106 = arith.cmpf olt, %add3A_1105, %min3A_1096 : vector<2048x128xf32>
    %add3A_1107 = arith.constant 7936 : i32
    %add3A_1108 = vector.broadcast %add3A_1107 : i32 to vector<1x128xi32>
    %add3A_1109 = arith.addi %iota3A, %add3A_1108 : vector<1x128xi32>
    %broadcast_in_dim3A_1110 = vector.shape_cast %add3A_1109 : vector<1x128xi32> to vector<1x128xi32>
    %broadcast_in_dim3A_1111 = vector.broadcast %broadcast_in_dim3A_1110 : vector<1x128xi32> to vector<2048x128xi32>
    %select_n3A_1112 = arith.select %lt3A_1106, %broadcast_in_dim3A_1111, %select_n3A_1095 : vector<2048x128xi1>, vector<2048x128xi32>
    %min3A_1113 = arith.minimumf %add3A_1105, %min3A_1096 : vector<2048x128xf32>
    %slice3A_1114 = vector.extract_strided_slice %dot_general3A_994 {offsets = [0, 896], sizes = [2048, 128], strides = [1, 1]} : vector<2048x1024xf32> to vector<2048x128xf32>
    %sub3A_1115 = arith.subf %broadcast_in_dim3A_4, %slice3A_1114 : vector<2048x128xf32>
    %get3A_1116 = arith.constant 63 : index
    %get3A_1117 = arith.constant 0 : index
    %get3A_1118 = vector.load %arg3[%get3A_1116, %get3A_1117] : memref<64x128xf32, #tpu.memory_space<vmem>>, vector<1x128xf32>
    %get3A_1119 = vector.shape_cast %get3A_1118 : vector<1x128xf32> to vector<128xf32>
    %broadcast_in_dim3A_1120 = vector.shape_cast %get3A_1119 : vector<128xf32> to vector<1x128xf32>
    %add3A_1121 = vector.broadcast %broadcast_in_dim3A_1120 : vector<1x128xf32> to vector<2048x128xf32>
    %add3A_1122 = arith.addf %sub3A_1115, %add3A_1121 : vector<2048x128xf32>
    %lt3A_1123 = arith.cmpf olt, %add3A_1122, %min3A_1113 : vector<2048x128xf32>
    %add3A_1124 = arith.constant 8064 : i32
    %add3A_1125 = vector.broadcast %add3A_1124 : i32 to vector<1x128xi32>
    %add3A_1126 = arith.addi %iota3A, %add3A_1125 : vector<1x128xi32>
    %broadcast_in_dim3A_1127 = vector.shape_cast %add3A_1126 : vector<1x128xi32> to vector<1x128xi32>
    %broadcast_in_dim3A_1128 = vector.broadcast %broadcast_in_dim3A_1127 : vector<1x128xi32> to vector<2048x128xi32>
    %select_n3A_1129 = arith.select %lt3A_1123, %broadcast_in_dim3A_1128, %select_n3A_1112 : vector<2048x128xi1>, vector<2048x128xi32>
    %min3A_1130 = arith.minimumf %add3A_1122, %min3A_1113 : vector<2048x128xf32>
    %reduce_min3A = arith.constant dense<0x7F800000> : vector<2048xf32>
    %reduce_min3A_1131 = vector.multi_reduction <minimumf>, %min3A_1130, %reduce_min3A [1] : vector<2048x128xf32> to vector<2048xf32>
    %broadcast_in_dim3A_1132 = vector.shape_cast %reduce_min3A_1131 : vector<2048xf32> to vector<2048x1xf32>
    %eq3A = vector.broadcast %broadcast_in_dim3A_1132 : vector<2048x1xf32> to vector<2048x128xf32>
    %eq3A_1133 = arith.cmpf oeq, %min3A_1130, %eq3A : vector<2048x128xf32>
    %jit3A = arith.constant 8192 : i32
    %broadcast_in_dim3A_1134 = vector.broadcast %jit3A : i32 to vector<2048x128xi32>
    %select_n3A_1135 = arith.select %eq3A_1133, %select_n3A_1129, %broadcast_in_dim3A_1134 : vector<2048x128xi1>, vector<2048x128xi32>
    %reduce_min3A_1136 = arith.constant dense<2147483647> : vector<2048xi32>
    %reduce_min3A_1137 = vector.multi_reduction <minsi>, %select_n3A_1135, %reduce_min3A_1136 [1] : vector<2048x128xi32> to vector<2048xi32>
    %broadcast_in_dim3A_1138 = vector.shape_cast %reduce_min3A_1137 : vector<2048xi32> to vector<2048x1xi32>
    %reshape3A = vector.shape_cast %broadcast_in_dim3A_1138 : vector<2048x1xi32> to vector<16x128xi32>
    %swap3A = arith.constant 0 : index
    %swap3A_1139 = arith.constant 0 : index
    %swap3A_1140 = vector.load %arg4[%swap3A, %swap3A_1139] : memref<16x128xi32, #tpu.memory_space<vmem>>, vector<16x128xi32>
    tpu.vector_store %arg4[%swap3A, %swap3A_1139], %reshape3A {strides = array<i32>} : memref<16x128xi32, #tpu.memory_space<vmem>>, vector<16x128xi32>,
    %reduce_sum3A_1141 = vector.shape_cast %broadcast_in_dim3A_1132 : vector<2048x1xf32> to vector<1x2048x1xf32>
    %reduce_sum3A_1142 = arith.constant dense<0.000000e+00> : vector<1xf32>
    %reduce_sum3A_1143 = vector.multi_reduction <add>, %reduce_sum3A_1141, %reduce_sum3A_1142 [1, 2] : vector<1x2048x1xf32> to vector<1xf32>
    %reduce_sum3A_1144 = vector.shape_cast %reduce_sum3A_1143 : vector<1xf32> to vector<1x1x1xf32>
    %reduce_sum3A_1145 = vector.extract %reduce_sum3A_1144[0, 0, 0] : f32 from vector<1x1x1xf32>
    %reshape3A_1146 = vector.broadcast %reduce_sum3A_1145 : f32 to vector<1x1xf32>
    %eq3A_1147 = arith.constant 0 : i32
    %eq3A_1148 = arith.cmpi eq, %arg0, %eq3A_1147 : i32
    %convert_element_type3A = arith.extui %eq3A_1148 : i1 to i32
    %cond3A = arith.constant 0 : i32
    %cond3A_1149 = arith.cmpi ne, %convert_element_type3A, %cond3A : i32
    scf.if %cond3A_1149 {
      %swap3A_1159 = arith.constant 0 : index
      %swap3A_1160 = arith.constant 0 : index
      %swap3A_1161 = vector.load %arg5[%swap3A_1159, %swap3A_1160] : memref<1x1xf32, #tpu.memory_space<vmem>>, vector<1x1xf32>
      tpu.vector_store %arg5[%swap3A_1159, %swap3A_1160], %reshape3A_1146 {strides = array<i32>} : memref<1x1xf32, #tpu.memory_space<vmem>>, vector<1x1xf32>,
    } else {
    }
    %gt3A = arith.constant 0 : i32
    %gt3A_1150 = arith.cmpi sgt, %arg0, %gt3A : i32
    %convert_element_type3A_1151 = arith.extui %gt3A_1150 : i1 to i32
    %cond3A_1152 = arith.constant 0 : i32
    %cond3A_1153 = arith.cmpi ne, %convert_element_type3A_1151, %cond3A_1152 : i32
    scf.if %cond3A_1153 {
      %get3A_1159 = arith.constant 0 : index
      %get3A_1160 = arith.constant 0 : index
      %get3A_1161 = vector.load %arg5[%get3A_1159, %get3A_1160] : memref<1x1xf32, #tpu.memory_space<vmem>>, vector<1x1xf32>
      %add3A_1162 = arith.addf %get3A_1161, %reshape3A_1146 : vector<1x1xf32>
      %swap3A_1163 = arith.constant 0 : index
      %swap3A_1164 = arith.constant 0 : index
      %swap3A_1165 = vector.load %arg5[%swap3A_1163, %swap3A_1164] : memref<1x1xf32, #tpu.memory_space<vmem>>, vector<1x1xf32>
      tpu.vector_store %arg5[%swap3A_1163, %swap3A_1164], %add3A_1162 {strides = array<i32>} : memref<1x1xf32, #tpu.memory_space<vmem>>, vector<1x1xf32>,
    } else {
    }
    %eq3A_1154 = arith.constant 3 : i32
    %eq3A_1155 = arith.cmpi eq, %arg0, %eq3A_1154 : i32
    %convert_element_type3A_1156 = arith.extui %eq3A_1155 : i1 to i32
    %cond3A_1157 = arith.constant 0 : i32
    %cond3A_1158 = arith.cmpi ne, %convert_element_type3A_1156, %cond3A_1157 : i32
    scf.if %cond3A_1158 {
      %get3A_1159 = arith.constant 0 : index
      %get3A_1160 = arith.constant 0 : index
      %get3A_1161 = vector.load %arg5[%get3A_1159, %get3A_1160] : memref<1x1xf32, #tpu.memory_space<vmem>>, vector<1x1xf32>
      %mul3A_1162 = arith.constant 5.96046448E-7 : f32
      %mul3A_1163 = vector.broadcast %mul3A_1162 : f32 to vector<1x1xf32>
      %mul3A_1164 = arith.mulf %get3A_1161, %mul3A_1163 : vector<1x1xf32>
      %swap3A_1165 = arith.constant 0 : index
      %swap3A_1166 = arith.constant 0 : index
      %swap3A_1167 = vector.load %arg5[%swap3A_1165, %swap3A_1166] : memref<1x1xf32, #tpu.memory_space<vmem>>, vector<1x1xf32>
      tpu.vector_store %arg5[%swap3A_1165, %swap3A_1166], %mul3A_1164 {strides = array<i32>} : memref<1x1xf32, #tpu.memory_space<vmem>>, vector<1x1xf32>,
    } else {
    }
    return
  }
  func.func @transform_0(%arg0: i32) -> (i32, i32) {
    %c0_i32 = arith.constant 0 : i32
    %c0_i32_0 = arith.constant 0 : i32
    return %arg0, %c0_i32 : i32, i32
  }
  func.func @transform_1(%arg0: i32) -> (i32, i32) {
    %c0_i32 = arith.constant 0 : i32
    %c0_i32_0 = arith.constant 0 : i32
    %c0_i32_1 = arith.constant 0 : i32
    return %c0_i32, %c0_i32_0 : i32, i32
  }
  func.func @transform_2(%arg0: i32) -> (i32, i32) {
    %c0_i32 = arith.constant 0 : i32
    %c0_i32_0 = arith.constant 0 : i32
    %c0_i32_1 = arith.constant 0 : i32
    return %c0_i32, %c0_i32_0 : i32, i32
  }
  func.func @transform_3(%arg0: i32) -> (i32, i32) {
    %c0_i32 = arith.constant 0 : i32
    %c0_i32_0 = arith.constant 0 : i32
    return %arg0, %c0_i32 : i32, i32
  }
  func.func @transform_4(%arg0: i32) -> (i32, i32) {
    %c0_i32 = arith.constant 0 : i32
    %c0_i32_0 = arith.constant 0 : i32
    %c0_i32_1 = arith.constant 0 : i32
    return %c0_i32, %c0_i32_0 : i32, i32
  }
}

</mosaic_0001>

<sc_bundles>
// kernel: kernel.5.cloned.1.call-start
scs
__scs_entry_jumppad:
0x0: {  	(pc) =	sbr.rel $0x88, $3  }
0x1: {  	(tag) =	ssettag $0x0;
	lr =	simm.s32 $0x1  }
0x2: {  	[smem:$0x3F9F] =	sst lr;
	_ =	strace $0xD0000000  }
0x3: {  	_ = 	snop  }
0x4: {  	_ = 	snop  }
0x5: {  	_ = 	snop  }
0x6: {  	_ = 	snop  }
0x7: {  	_ = 	snop  }
__scs_overlays_trampoline_lowered:
0x8: {  	[smem:$0x3FAE] =	sst s0  }
0x9: {  	[smem:$0x3FAF] =	sst s1  }
0xa: {  	[smem:$0x3FB0] =	sst s2  }
0xb: {  	[smem:$0x3FB1] =	sst s3  }
0xc: {  	[smem:$0x3FB2] =	sst s4  }
0xd: {  	[smem:$0x3FB3] =	sst s5  }
0xe: {  	[smem:$0x3FB4] =	sst s6  }
0xf: {  	[smem:$0x3FB5] =	sst s7  }
0x10: {  	[smem:$0x3FB6] =	sst s8  }
0x11: {  	[smem:$0x3FB7] =	sst s9;
	s0 =	simm.s32 @!p0 $0x0  }
0x12: {  	s1 =	sld [smem:$0x3F9D];
	s0 =	simm.s32 @p0 $0x1  }
0x13: {  	[smem:$0x3FB8] =	sst s0;
	s0 =	simm.s32 @!p1 $0x0  }
0x14: {  	s2 =	sld [smem:$0x3F9C];
	s0 =	simm.s32 @p1 $0x1  }
0x15: {  	[smem:$0x3FB9] =	sst s0;
	s0 =	simm.s32 @!p2 $0x0  }
0x16: {  	s3 =	sld [smem:$0x3FDB];
	s0 =	simm.s32 @p2 $0x1  }
0x17: {  	s4 =	simm.s32 $0x1BF5;
	[smem:$0x3FBB] =	sst s0  }
0x18: {  	s0 =	sld [smem:$0x3F9E];
	_ =	swait.ge [sflag:s4], $0x0  }
0x19: {  	s7 =	sld [smem:$0x3F9F]  }
0x1a: {  	s8 =	sadd.s32 $0xFFFFE003, lr  }
0x1b: {  	s9 =	sadd.s32 $0xFFFFFEF7, lr;
	s5 =	simm.s32 $0xFFFFFFFF;
	p2 =	slt.u32 s8, $0xFFFFF086  }
0x1c: {  	p1 =	slt.u32 s9, $0xF7A;
	s5 =	simm.s32 @!p2 $0x0  }
0x1d: {  	s5 =	simm.s32 @p1 $0x1;
	p0 =	seq.s32 s7, s2  }
0x1e: {  	s7 =	smul.u32 @!p0 $0xF7A, s2;
	p2 =	seq.s32 @!p0 s5, $0x0  }
0x1f: {  	s9 =	smul.u32 $0xF7A, s1;
	s8 =	simm.s32 @!p0 $0x1BF5;
	p2 =	por !p2, p0  }
0x20: {  	[sflag:s8] =	ssyncset.s32 @!p0 $0xFFFFF086;
	s6 =	sadd.s32 @!p0 s3, s7;
	s7 =	simm.s32 @!p0 $0x108  }
0x21: {  	s3 =	sadd.s32 s3, s9;
	s6 =	sadd.s32 @!p0 $0x88, s6;
	s7 =	simm.s32 @p2 $0x1082  }
0x22: {  	[simem:s7], [sflag:s8] =	dma.local @!p0 [hbm:s6], $0xF7A  }
0x23: {  	s9 =	sor.u32 $0xD0000000, s2;
	s6 =	simm.s32 $0x108;
	_ =	swait.ge @!p0 [sflag:s8], $0x0  }
0x24: {  	s3 =	sadd.s32 $0x88, s3;
	s6 =	simm.s32 @!p1 $0x1082;
	[sflag:s4] =	ssyncset.s32 $0xFFFFF086  }
0x25: {  	[simem:s6], [sflag:s4] =	dma.local [hbm:s3], $0xF7A  }
0x26: {  	[smem:$0x3F9F] =	sst s1;
	(tag) =	ssettag s2;
	_ =	strace s9  }
0x27: {  	s1 =	sld [smem:$0x3FAF]  }
0x28: {  	s2 =	sld [smem:$0x3FB0]  }
0x29: {  	s4 =	sld [smem:$0x3FB2]  }
0x2a: {  	p0 =	seq.s32 s5, $0x0;
	s5 =	sld [smem:$0x3FB3]  }
0x2b: {  	s6 =	sld [smem:$0x3FB4]  }
0x2c: {  	s7 =	sld [smem:$0x3FB5]  }
0x2d: {  	s3 =	simm.s32 $0x108;
	s8 =	sld [smem:$0x3FB6]  }
0x2e: {  	s3 =	simm.s32 @!p0 $0x1082;
	s9 =	sld [smem:$0x3FB7]  }
0x2f: {  	lr =	sadd.s32 s0, s3;
	s0 =	sld [smem:$0x3FAE]  }
0x30: {  	s3 =	sld [smem:$0x3FB1]  }
0x31: {  	[smem:$0x3FBA] =	sst s10  }
0x32: {  	s10 =	sld [smem:$0x3FB8];
	_ =	sdelay $0x3  }
0x33: {  	p0 =	seq.s32 s10, $0x1;
	s10 =	sld [smem:$0x3FBA];
	_ =	sdelay $0x3  }
0x34: {  	[smem:$0x3FBA] =	sst s10  }
0x35: {  	s10 =	sld [smem:$0x3FB9];
	_ =	sdelay $0x3  }
0x36: {  	p1 =	seq.s32 s10, $0x1;
	s10 =	sld [smem:$0x3FBA];
	_ =	sdelay $0x3  }
0x37: {  	[smem:$0x3FBA] =	sst s10  }
0x38: {  	s10 =	sld [smem:$0x3FBB]  }
0x39: {  	_ = 	snop;
	(pc) =	sbr.ind lr, $3  }
0x3a: {  	_ = 	snop  }
0x3b: {  	_ = 	snop  }
0x3c: {  	p2 =	seq.s32 s10, $0x1;
	s10 =	sld [smem:$0x3FBA]  }
0x3d: {  	_ =	shalt  }
0x3e: {  	_ =	shalt  }
0x3f: {  	_ =	shalt  }
0x40: {  	_ =	shalt  }
0x41: {  	_ =	shalt  }
0x42: {  	_ =	shalt  }
0x43: {  	_ =	shalt  }
0x44: {  	_ =	shalt  }
0x45: {  	_ =	shalt  }
0x46: {  	_ =	shalt  }
0x47: {  	_ =	shalt  }
0x48: {  	_ =	shalt  }
0x49: {  	_ =	shalt  }
0x4a: {  	_ =	shalt  }
0x4b: {  	_ =	shalt  }
0x4c: {  	_ =	shalt  }
0x4d: {  	_ =	shalt  }
0x4e: {  	_ =	shalt  }
0x4f: {  	_ =	shalt  }
0x50: {  	_ =	shalt  }
0x51: {  	_ =	shalt  }
0x52: {  	_ =	shalt  }
0x53: {  	_ =	shalt  }
0x54: {  	_ =	shalt  }
0x55: {  	_ =	shalt  }
0x56: {  	_ =	shalt  }
0x57: {  	_ =	shalt  }
0x58: {  	_ =	shalt  }
0x59: {  	_ =	shalt  }
0x5a: {  	_ =	shalt  }
0x5b: {  	_ =	shalt  }
0x5c: {  	_ =	shalt  }
0x5d: {  	_ =	shalt  }
0x5e: {  	_ =	shalt  }
0x5f: {  	_ =	shalt  }
0x60: {  	_ =	shalt  }
0x61: {  	_ =	shalt  }
0x62: {  	_ =	shalt  }
0x63: {  	_ =	shalt  }
0x64: {  	_ =	shalt  }
0x65: {  	_ =	shalt  }
0x66: {  	_ =	shalt  }
0x67: {  	_ =	shalt  }
0x68: {  	_ =	shalt  }
0x69: {  	_ =	shalt  }
0x6a: {  	_ =	shalt  }
0x6b: {  	_ =	shalt  }
0x6c: {  	_ =	shalt  }
0x6d: {  	_ =	shalt  }
0x6e: {  	_ =	shalt  }
0x6f: {  	_ =	shalt  }
0x70: {  	_ =	shalt  }
0x71: {  	_ =	shalt  }
0x72: {  	_ =	shalt  }
0x73: {  	_ =	shalt  }
0x74: {  	_ =	shalt  }
0x75: {  	_ =	shalt  }
0x76: {  	_ =	shalt  }
0x77: {  	_ =	shalt  }
0x78: {  	_ =	shalt  }
0x79: {  	_ =	shalt  }
0x7a: {  	_ =	shalt  }
0x7b: {  	_ =	shalt  }
0x7c: {  	_ =	shalt  }
0x7d: {  	_ =	shalt  }
0x7e: {  	_ =	shalt  }
0x7f: {  	_ =	shalt  }
0x80: {  	_ =	shalt  }
0x81: {  	_ =	shalt  }
0x82: {  	_ =	shalt  }
0x83: {  	_ =	shalt  }
0x84: {  	_ =	shalt  }
0x85: {  	_ =	shalt  }
0x86: {  	_ =	shalt  }
0x87: {  	_ =	shalt  }
.Lfunc_end0:
.L_simem_size_0:
called_computation_lowered:
.L_overlay_start_0:
0x88: {  	s2 =	sld [smem:$0x3FD9]  }
0x89: {  	s3 =	sld [smem:$0x3FFE];
	_ =	sdelay $0x1  }
0x8a: {  	s1 =	srdreg.scid  }
0x8b: {  	s0 =	sand.u32 $0x1, s1  }
0x8c: {  	s14 =	sshll.u32 s0, $0xA;
	s2 =	sadd.s32 s3, s2  }
0x8d: {  	s2 =	sadd.s32 s2, s14  }
0x8e: {  	[smem:$0x3FC6] =	sst s2  }
0x8f: {  	_ = 	snop  }
0x90: {  	s2 =	sld [smem:$0x3FD0];
	_ =	sdelay $0x2  }
0x91: {  	s4 =	simm.s32 $0xA;
	s5 =	simm.s32 $0x10;
	s15 =	sld [smem:$0x3FC8]  }
0x92: {  	[smem:s5], [sflag:s4] =	dma.local [hbm:s2], $0x1  }
0x93: {  	_ =	swait.eq [sflag:s4], $0x1  }
0x94: {  	[sflag:s4] =	ssyncset.done $0x0  }
0x95: {  	[sflag:s4] =	ssyncadd.s32 $0xFFFFFFFF  }
0x96: {  	s16 =	sld [smem:$0x10];
	(tm) =	ssettm $0x1  }
0x97: {  	s17 =	sld [smem:$0x3FFB];
	_ =	sdelay $0x3  }
0x98: {  	_ =	strace s17  }
0x99: {  	s4 =	sld [smem:$0x3FFC];
	_ =	sdelay $0x3  }
0x9a: {  	_ =	strace s4  }
0x9b: {  	s4 =	sld [smem:$0x3FFD];
	_ =	sdelay $0x3  }
0x9c: {  	_ =	strace s4  }
0x9d: {  	_ =	strace $0x8FFFFFFF  }
0x9e: {  	s18 =	sld [smem:$0x3FDB];
	_ =	sdelay $0x1  }
0x9f: {  	s19 =	simm.s32 $_scs_section_size  }
0xa0: {  	s6 =	simm.s32 $_size__tile_overlayer_lowered;
	s7 =	simm.s32 $_tile_overlayer_lowered  }
0xa1: {  	s22 =	simm.s32 $0x1BFF;
	s21 =	sshll.u32 s7, $0x1;
	s4 =	sadd.s32 s19, s18  }
0xa2: {  	s8 =	simm.s32 $0x0;
	s20 =	sshll.u32 s6, $0x1;
	s6 =	sadd.s32 s21, s4  }
0xa3: {  	[timem:s8], [sflag:s22] =	dma.local [hbm:s6], s20  }
0xa4: {  	_ =	swait.ge [sflag:s22], s20  }
0xa5: {  	s5 =	ssub.s32 $0x0, s20;
	[sflag:s22] =	ssyncset.done $0x0  }
0xa6: {  	[sflag:s22] =	ssyncadd.s32 s5;
	_ =	sdelay $0x1  }
0xa7: {  	s23 =	simm.s32 $0x1B8B  }
0xa8: {  	_ =	swait.ge [sflag:s23], $0x1  }
0xa9: {  	[sflag:s23] =	ssyncset.done $0x0  }
0xaa: {  	s25 =	simm.s32 $0x1B8E;
	s24 =	sld [smem:$0x3FFE];
	[sflag:s23] =	ssyncadd.s32 $0xFFFFFFFF  }
0xab: {  	s26 =	simm.s32 $execute0_lowered;
	[smem:$0x3FD2] =	sst s25  }
0xac: {  	s6 =	sshll.u32 s26, $0x1;
	_ =	strace $0x80000046;
	[dreg:$0x1] =	wrdreg $0xFFFFFFFF  }
0xad: {  	s28 =	simm.s32 $_size_execute0_lowered;
	s4 =	sadd.s32 s4, s6;
	[dreg:$0x0] =	wrdreg $0x0  }
0xae: {  	s6 =	sshll.u32 s28, $0x1;
	[dreg:$0x2] =	wrdreg s4  }
0xaf: {  	[dreg:$0x3] =	wrdreg s6  }
0xb0: {  	[dreg:$0x4] =	wrdreg $0xC0  }
0xb1: {  	_ =	task [dreg:s8], $0x5FFFF  }
0xb2: {  	[dreg:$0x1] =	wrdreg $0xFFFFFFFF  }
0xb3: {  	[dreg:$0x0] =	wrdreg $0x60  }
0xb4: {  	[dreg:$0x2] =	wrdreg s15  }
0xb5: {  	[dreg:$0x3] =	wrdreg s24  }
0xb6: {  	[dreg:$0x4] =	wrdreg s16  }
0xb7: {  	[dreg:$0x5] =	wrdreg $0x9  }
0xb8: {  	_ =	task.clear_ibuf [dreg:s8], $0x6FFFF;
	_ =	strace $0x90000046  }
0xb9: {  	s29 =	simm.s32 $0x9;
	_ =	strace $0x80000048  }
0xba: {  	_ =	swait.ge [sflag:s29], $0x1  }
0xbb: {  	[sflag:s29] =	ssyncadd.s32 $0xFFFFFFFF  }
0xbc: {  	_ =	strace $0x90000048  }
0xbd: {  	_ =	sfence  }
0xbe: {  	s30 =	sld [smem:$0x0];
	_ =	sdelay $0x2  }
0xbf: {  	s31 =	sshll.u32 s1, $0xD;
	s1 =	sshrl.u32 s1, $0x2  }
0xc0: {  	s3 =	sand.u32 $0x4000, s31;
	s1 =	sadd.s32 s1, s30  }
0xc1: {  	s0 =	sor.u32 s3, s0;
	s1 =	sshll.u32 s1, $0x11  }
0xc2: {  	s0 =	sor.u32 s1, s0  }
0xc3: {  	s0 =	sadd.s32 $0x8F2B, s0  }
0xc4: {  	[sflag:s0] =	ssyncadd.remote.s32 $0x1  }
0xc5: {  	_ =	sfence.sel $0xFFFF  }
0xc6: {  	[dreg:$0x0] =	wrdreg $0xFFFFFFFF;
	(pc) =	sbr.abs _section_cstart, $3  }
0xc7: {  	[dreg:$0x1] =	wrdreg $0xFFFFFFFF  }
0xc8: {  	_ =	task.clear_ibuf [dreg:s8], $0x2FFFF;
	_ =	strace $0x9FFFFFFF  }
0xc9: {  	(tm) =	ssettm $0x7FFFFFFF  }
tec
execute0_lowered:
.L_overlay_start_1:
0x0: {  	(tag) =	ssettag $0x1  }
0x1: {  	s1 =	rddreg [dreg:$0x0]  }
0x2: {  	s2 =	srdreg.scid;
	s4 =	rddreg [dreg:$0x1]  }
0x3: {  	s0 =	stileid.u32;
	s6 =	rddreg [dreg:$0x2];
	s19 =	simm.s32 $0x900  }
0x4: {  	s20 =	simm.s32 $0x1100;
	s21 =	simm.s32 $0x1900;
	s23 =	simm.s32 $0x2100  }
0x5: {  	s24 =	simm.s32 $0x2900;
	s25 =	simm.s32 $0x3100;
	s26 =	simm.s32 $0x3900  }
0x6: {  	s8 =	simm.s32 $0x4900;
	s9 =	simm.s32 $0x5100;
	s10 =	simm.s32 $0x5900  }
0x7: {  	s11 =	simm.s32 $0x6100;
	s12 =	simm.s32 $0x6900;
	s13 =	simm.s32 $0x7100  }
0x8: {  	s14 =	simm.s32 $0x7900;
	s15 =	simm.s32 $0x8100;
	s2 =	sand.u32 $0x1, s2  }
0x9: {  	s16 =	simm.s32 $0x8900;
	s3 =	sshll.u32 s0, $0x9;
	s5 =	sshll.u32 s2, $0x8  }
0xa: {  	s17 =	simm.s32 $0x9100;
	s5 =	sor.u32 s5, s3;
	s3 =	simm.s32 $0x0  }
0xb: {  	s28 =	simm.s32 $0xE100;
	s29 =	simm.s32 $0xE900;
	[smem:$0x7FF] =	sst s3  }
0xc: {  	s30 =	simm.s32 $0xF100;
	_ =	strace $0x80000047;
	[dreg:$0x6] =	wrdreg s19  }
0xd: {  	s31 =	simm.s32 $0xF900;
	s2 =	ssub.s32 $0x2, s2;
	[dreg:$0x7] =	wrdreg s20  }
0xe: {  	s22 =	sshrl.u32 s2, $0x1;
	s7 =	sshrl.u32 s5, $0x3;
	[dreg:$0x8] =	wrdreg s21  }
0xf: {  	s5 =	sshll.u32 s5, $0x5;
	s2 =	ssub.s32 s2, s22;
	[dreg:$0x9] =	wrdreg s23  }
0x10: {  	s22 =	simm.s32 $0xB900;
	s4 =	sadd.s32 s7, s4;
	[dreg:$0xa] =	wrdreg s24  }
0x11: {  	s18 =	sadd.s32 s6, s5;
	s5 =	simm.s32 $0x2;
	[dreg:$0xb] =	wrdreg s25  }
0x12: {  	s6 =	simm.s32 $0x100;
	[dreg:$0xc] =	wrdreg s26;
	s19 =	simm.s32 $0xA100  }
0x13: {  	s20 =	simm.s32 $0xA900;
	s21 =	simm.s32 $0xB100;
	s23 =	simm.s32 $0xC100  }
0x14: {  	v2 =	vlaneseq.u32;
	s24 =	simm.s32 $0xC900;
	s25 =	simm.s32 $0xD100;
	s26 =	simm.s32 $0xD900  }
0x15: {  	vm0 =	vmmov $0xffff;
	v1 =	vshrl.u32 v2, $0x3;
	s4 =	sadd.s32 $0xC00, s4;
	[dreg:$0x5] =	wrdreg s18;
	s18 =	simm.s32 $0x9900  }
0x16: {  	v0 =	vand.u32 $0x7, v2;
	v2 =	vor.u32 $0x8, v2;
	v1 =	vmul.u32 $0x8, v1;
	[dreg:$0x4] =	wrdreg s4;
	s4 =	smax.u32 s2, $0x1;
	s2 =	simm.s32 $0x1  }
.LBB2_1:
0x17: {  	s0 =	rddreg [dreg:$0x4]  }
0x18: {  	[tilespmem:s3], [sflag:$0x2] =	stream.linear.gather [hbm4b:s0+s3], $0x100, $0x38;
	[tilespmem:$0x10100] =	vst v63  }
0x19: {  	_ =	swait.ge [sflag:s5], $0x100  }
0x1a: {  	[sflag:s5] =	ssyncset.done $0x0  }
0x1b: {  	[sflag:s5] =	ssyncadd.s32 $0xFFFFFF00  }
0x1c: {  	v3 =	vld [tilespmem:$0x0];
	_ =	sdelay $0x4  }
0x1d: {  	v4 =	vshll.u32 v3, $0x1  }
0x1e: {  	v3 =	vand.u32 $0x7, v3;
	v4 =	vand.u32 $0xFFFFFFF0, v4  }
0x1f: {  	v3 =	vor.u32 v3, v4  }
0x20: {  	v4 =	vperm.xlane v3, v0;
	_ =	sdelay $0x1  }
0x21: {  	v3 =	vperm.xlane v3, v2;
	v4 =	vadd.s32 v1, v4;
	_ =	sdelay $0x1  }
0x22: {  	v3 =	vadd.s32 v1, v3;
	_ =	sdelay $0x2  }
0x23: {  	[tilespmem:s6], [sflag:$0x1] =	stream.indirect_vreg.gather [hbm4b:s1+s3], $0x80, v4, vm0, $0xb8;
	[tilespmem:$0x10100] =	vst v63  }
0x24: {  	s7 =	rddreg [dreg:$0x6]  }
0x25: {  	[tilespmem:s7], [sflag:$0x1] =	stream.indirect_vreg.gather [hbm4b:s1+s3], $0x80, v3, vm0, $0xb8;
	[tilespmem:$0x10100] =	vst v63  }
0x26: {  	v3 =	vld [tilespmem:$0x10];
	_ =	sdelay $0x4  }
0x27: {  	v49 =	vshll.u32 v3, $0x1  }
0x28: {  	v3 =	vand.u32 $0x7, v3;
	v4 =	vand.u32 $0xFFFFFFF0, v49  }
0x29: {  	v3 =	vor.u32 v3, v4  }
0x2a: {  	v4 =	vperm.xlane v3, v0;
	_ =	sdelay $0x1  }
0x2b: {  	v3 =	vperm.xlane v3, v2;
	v4 =	vadd.s32 v1, v4;
	_ =	sdelay $0x1  }
0x2c: {  	v3 =	vadd.s32 v1, v3;
	_ =	sdelay $0x1  }
0x2d: {  	s0 =	rddreg [dreg:$0x7]  }
0x2e: {  	[tilespmem:s0], [sflag:$0x1] =	stream.indirect_vreg.gather [hbm4b:s1+s3], $0x80, v4, vm0, $0xb8;
	[tilespmem:$0x10100] =	vst v63  }
0x2f: {  	s7 =	rddreg [dreg:$0x8]  }
0x30: {  	[tilespmem:s7], [sflag:$0x1] =	stream.indirect_vreg.gather [hbm4b:s1+s3], $0x80, v3, vm0, $0xb8;
	[tilespmem:$0x10100] =	vst v63  }
0x31: {  	v3 =	vld [tilespmem:$0x20];
	_ =	sdelay $0x4  }
0x32: {  	v50 =	vshll.u32 v3, $0x1  }
0x33: {  	v3 =	vand.u32 $0x7, v3;
	v4 =	vand.u32 $0xFFFFFFF0, v50  }
0x34: {  	v3 =	vor.u32 v3, v4  }
0x35: {  	v4 =	vperm.xlane v3, v0;
	_ =	sdelay $0x1  }
0x36: {  	v3 =	vperm.xlane v3, v2;
	v4 =	vadd.s32 v1, v4;
	_ =	sdelay $0x1  }
0x37: {  	v3 =	vadd.s32 v1, v3;
	_ =	sdelay $0x1  }
0x38: {  	s0 =	rddreg [dreg:$0x9]  }
0x39: {  	[tilespmem:s0], [sflag:$0x1] =	stream.indirect_vreg.gather [hbm4b:s1+s3], $0x80, v4, vm0, $0xb8;
	[tilespmem:$0x10100] =	vst v63  }
0x3a: {  	s7 =	rddreg [dreg:$0xa]  }
0x3b: {  	[tilespmem:s7], [sflag:$0x1] =	stream.indirect_vreg.gather [hbm4b:s1+s3], $0x80, v3, vm0, $0xb8;
	[tilespmem:$0x10100] =	vst v63  }
0x3c: {  	v3 =	vld [tilespmem:$0x30];
	_ =	sdelay $0x4  }
0x3d: {  	v51 =	vshll.u32 v3, $0x1  }
0x3e: {  	v3 =	vand.u32 $0x7, v3;
	v4 =	vand.u32 $0xFFFFFFF0, v51  }
0x3f: {  	v3 =	vor.u32 v3, v4  }
0x40: {  	v4 =	vperm.xlane v3, v0;
	_ =	sdelay $0x1  }
0x41: {  	v3 =	vperm.xlane v3, v2;
	v4 =	vadd.s32 v1, v4;
	_ =	sdelay $0x1  }
0x42: {  	v3 =	vadd.s32 v1, v3;
	_ =	sdelay $0x1  }
0x43: {  	s0 =	rddreg [dreg:$0xb]  }
0x44: {  	[tilespmem:s0], [sflag:$0x1] =	stream.indirect_vreg.gather [hbm4b:s1+s3], $0x80, v4, vm0, $0xb8;
	[tilespmem:$0x10100] =	vst v63  }
0x45: {  	s7 =	rddreg [dreg:$0xc]  }
0x46: {  	[tilespmem:s7], [sflag:$0x1] =	stream.indirect_vreg.gather [hbm4b:s1+s3], $0x80, v3, vm0, $0xb8;
	[tilespmem:$0x10100] =	vst v63  }
0x47: {  	v3 =	vld [tilespmem:$0x40];
	_ =	sdelay $0x4  }
0x48: {  	v52 =	vshll.u32 v3, $0x1  }
0x49: {  	v3 =	vand.u32 $0x7, v3;
	v4 =	vand.u32 $0xFFFFFFF0, v52  }
0x4a: {  	v3 =	vor.u32 v3, v4  }
0x4b: {  	v4 =	vperm.xlane v3, v0;
	_ =	sdelay $0x1  }
0x4c: {  	v3 =	vperm.xlane v3, v2;
	v4 =	vadd.s32 v1, v4;
	_ =	sdelay $0x1  }
0x4d: {  	v3 =	vadd.s32 v1, v3;
	_ =	sdelay $0x1  }
0x4e: {  	s7 =	simm.s32 $0x4100  }
0x4f: {  	[tilespmem:s7], [sflag:$0x1] =	stream.indirect_vreg.gather [hbm4b:s1+s3], $0x80, v4, vm0, $0xb8;
	[tilespmem:$0x10100] =	vst v63  }
0x50: {  	_ = 	snop  }
0x51: {  	[tilespmem:s8], [sflag:$0x1] =	stream.indirect_vreg.gather [hbm4b:s1+s3], $0x80, v3, vm0, $0xb8;
	[tilespmem:$0x10100] =	vst v63  }
0x52: {  	v3 =	vld [tilespmem:$0x50];
	_ =	sdelay $0x4  }
0x53: {  	v53 =	vshll.u32 v3, $0x1  }
0x54: {  	v3 =	vand.u32 $0x7, v3;
	v4 =	vand.u32 $0xFFFFFFF0, v53  }
0x55: {  	v3 =	vor.u32 v3, v4  }
0x56: {  	v4 =	vperm.xlane v3, v0;
	_ =	sdelay $0x1  }
0x57: {  	v3 =	vperm.xlane v3, v2;
	v4 =	vadd.s32 v1, v4;
	_ =	sdelay $0x1  }
0x58: {  	v3 =	vadd.s32 v1, v3;
	_ =	sdelay $0x2  }
0x59: {  	[tilespmem:s9], [sflag:$0x1] =	stream.indirect_vreg.gather [hbm4b:s1+s3], $0x80, v4, vm0, $0xb8;
	[tilespmem:$0x10100] =	vst v63  }
0x5a: {  	_ = 	snop  }
0x5b: {  	[tilespmem:s10], [sflag:$0x1] =	stream.indirect_vreg.gather [hbm4b:s1+s3], $0x80, v3, vm0, $0xb8;
	[tilespmem:$0x10100] =	vst v63  }
0x5c: {  	v3 =	vld [tilespmem:$0x60];
	_ =	sdelay $0x4  }
0x5d: {  	v54 =	vshll.u32 v3, $0x1  }
0x5e: {  	v3 =	vand.u32 $0x7, v3;
	v4 =	vand.u32 $0xFFFFFFF0, v54  }
0x5f: {  	v3 =	vor.u32 v3, v4  }
0x60: {  	v4 =	vperm.xlane v3, v0;
	_ =	sdelay $0x1  }
0x61: {  	v3 =	vperm.xlane v3, v2;
	v4 =	vadd.s32 v1, v4;
	_ =	sdelay $0x1  }
0x62: {  	v3 =	vadd.s32 v1, v3;
	_ =	sdelay $0x2  }
0x63: {  	[tilespmem:s11], [sflag:$0x1] =	stream.indirect_vreg.gather [hbm4b:s1+s3], $0x80, v4, vm0, $0xb8;
	[tilespmem:$0x10100] =	vst v63  }
0x64: {  	_ = 	snop  }
0x65: {  	[tilespmem:s12], [sflag:$0x1] =	stream.indirect_vreg.gather [hbm4b:s1+s3], $0x80, v3, vm0, $0xb8;
	[tilespmem:$0x10100] =	vst v63  }
0x66: {  	v3 =	vld [tilespmem:$0x70];
	_ =	sdelay $0x4  }
0x67: {  	v55 =	vshll.u32 v3, $0x1  }
0x68: {  	v3 =	vand.u32 $0x7, v3;
	v4 =	vand.u32 $0xFFFFFFF0, v55  }
0x69: {  	v3 =	vor.u32 v3, v4  }
0x6a: {  	v4 =	vperm.xlane v3, v0;
	_ =	sdelay $0x1  }
0x6b: {  	v3 =	vperm.xlane v3, v2;
	v4 =	vadd.s32 v1, v4;
	_ =	sdelay $0x1  }
0x6c: {  	v3 =	vadd.s32 v1, v3;
	_ =	sdelay $0x2  }
0x6d: {  	[tilespmem:s13], [sflag:$0x1] =	stream.indirect_vreg.gather [hbm4b:s1+s3], $0x80, v4, vm0, $0xb8;
	[tilespmem:$0x10100] =	vst v63  }
0x6e: {  	_ = 	snop  }
0x6f: {  	[tilespmem:s14], [sflag:$0x1] =	stream.indirect_vreg.gather [hbm4b:s1+s3], $0x80, v3, vm0, $0xb8;
	[tilespmem:$0x10100] =	vst v63  }
0x70: {  	v3 =	vld [tilespmem:$0x80];
	_ =	sdelay $0x4  }
0x71: {  	v56 =	vshll.u32 v3, $0x1  }
0x72: {  	v3 =	vand.u32 $0x7, v3;
	v4 =	vand.u32 $0xFFFFFFF0, v56  }
0x73: {  	v3 =	vor.u32 v3, v4  }
0x74: {  	v4 =	vperm.xlane v3, v0;
	_ =	sdelay $0x1  }
0x75: {  	v3 =	vperm.xlane v3, v2;
	v4 =	vadd.s32 v1, v4;
	_ =	sdelay $0x1  }
0x76: {  	v3 =	vadd.s32 v1, v3;
	_ =	sdelay $0x2  }
0x77: {  	[tilespmem:s15], [sflag:$0x1] =	stream.indirect_vreg.gather [hbm4b:s1+s3], $0x80, v4, vm0, $0xb8;
	[tilespmem:$0x10100] =	vst v63  }
0x78: {  	_ = 	snop  }
0x79: {  	[tilespmem:s16], [sflag:$0x1] =	stream.indirect_vreg.gather [hbm4b:s1+s3], $0x80, v3, vm0, $0xb8;
	[tilespmem:$0x10100] =	vst v63  }
0x7a: {  	v3 =	vld [tilespmem:$0x90];
	_ =	sdelay $0x4  }
0x7b: {  	v57 =	vshll.u32 v3, $0x1  }
0x7c: {  	v3 =	vand.u32 $0x7, v3;
	v4 =	vand.u32 $0xFFFFFFF0, v57  }
0x7d: {  	v3 =	vor.u32 v3, v4  }
0x7e: {  	v4 =	vperm.xlane v3, v0;
	_ =	sdelay $0x1  }
0x7f: {  	v3 =	vperm.xlane v3, v2;
	v4 =	vadd.s32 v1, v4;
	_ =	sdelay $0x1  }
0x80: {  	v3 =	vadd.s32 v1, v3;
	_ =	sdelay $0x2  }
0x81: {  	[tilespmem:s17], [sflag:$0x1] =	stream.indirect_vreg.gather [hbm4b:s1+s3], $0x80, v4, vm0, $0xb8;
	[tilespmem:$0x10100] =	vst v63  }
0x82: {  	_ = 	snop  }
0x83: {  	[tilespmem:s18], [sflag:$0x1] =	stream.indirect_vreg.gather [hbm4b:s1+s3], $0x80, v3, vm0, $0xb8;
	[tilespmem:$0x10100] =	vst v63  }
0x84: {  	v3 =	vld [tilespmem:$0xA0];
	_ =	sdelay $0x4  }
0x85: {  	v58 =	vshll.u32 v3, $0x1  }
0x86: {  	v3 =	vand.u32 $0x7, v3;
	v4 =	vand.u32 $0xFFFFFFF0, v58  }
0x87: {  	v3 =	vor.u32 v3, v4  }
0x88: {  	v4 =	vperm.xlane v3, v0;
	_ =	sdelay $0x1  }
0x89: {  	v3 =	vperm.xlane v3, v2;
	v4 =	vadd.s32 v1, v4;
	_ =	sdelay $0x1  }
0x8a: {  	v3 =	vadd.s32 v1, v3;
	_ =	sdelay $0x2  }
0x8b: {  	[tilespmem:s19], [sflag:$0x1] =	stream.indirect_vreg.gather [hbm4b:s1+s3], $0x80, v4, vm0, $0xb8;
	[tilespmem:$0x10100] =	vst v63  }
0x8c: {  	_ = 	snop  }
0x8d: {  	[tilespmem:s20], [sflag:$0x1] =	stream.indirect_vreg.gather [hbm4b:s1+s3], $0x80, v3, vm0, $0xb8;
	[tilespmem:$0x10100] =	vst v63  }
0x8e: {  	v3 =	vld [tilespmem:$0xB0];
	_ =	sdelay $0x4  }
0x8f: {  	v59 =	vshll.u32 v3, $0x1  }
0x90: {  	v3 =	vand.u32 $0x7, v3;
	v4 =	vand.u32 $0xFFFFFFF0, v59  }
0x91: {  	v3 =	vor.u32 v3, v4  }
0x92: {  	v4 =	vperm.xlane v3, v0;
	_ =	sdelay $0x1  }
0x93: {  	v3 =	vperm.xlane v3, v2;
	v4 =	vadd.s32 v1, v4;
	_ =	sdelay $0x1  }
0x94: {  	v3 =	vadd.s32 v1, v3;
	_ =	sdelay $0x2  }
0x95: {  	[tilespmem:s21], [sflag:$0x1] =	stream.indirect_vreg.gather [hbm4b:s1+s3], $0x80, v4, vm0, $0xb8;
	[tilespmem:$0x10100] =	vst v63  }
0x96: {  	_ = 	snop  }
0x97: {  	[tilespmem:s22], [sflag:$0x1] =	stream.indirect_vreg.gather [hbm4b:s1+s3], $0x80, v3, vm0, $0xb8;
	[tilespmem:$0x10100] =	vst v63  }
0x98: {  	v3 =	vld [tilespmem:$0xC0];
	_ =	sdelay $0x4  }
0x99: {  	v60 =	vshll.u32 v3, $0x1  }
0x9a: {  	v3 =	vand.u32 $0x7, v3;
	v4 =	vand.u32 $0xFFFFFFF0, v60  }
0x9b: {  	v3 =	vor.u32 v3, v4  }
0x9c: {  	v4 =	vperm.xlane v3, v0;
	_ =	sdelay $0x1  }
0x9d: {  	v3 =	vperm.xlane v3, v2;
	v4 =	vadd.s32 v1, v4;
	_ =	sdelay $0x1  }
0x9e: {  	v3 =	vadd.s32 v1, v3;
	_ =	sdelay $0x2  }
0x9f: {  	[tilespmem:s23], [sflag:$0x1] =	stream.indirect_vreg.gather [hbm4b:s1+s3], $0x80, v4, vm0, $0xb8;
	[tilespmem:$0x10100] =	vst v63  }
0xa0: {  	_ = 	snop  }
0xa1: {  	[tilespmem:s24], [sflag:$0x1] =	stream.indirect_vreg.gather [hbm4b:s1+s3], $0x80, v3, vm0, $0xb8;
	[tilespmem:$0x10100] =	vst v63  }
0xa2: {  	v3 =	vld [tilespmem:$0xD0];
	_ =	sdelay $0x4  }
0xa3: {  	v61 =	vshll.u32 v3, $0x1  }
0xa4: {  	v3 =	vand.u32 $0x7, v3;
	v4 =	vand.u32 $0xFFFFFFF0, v61  }
0xa5: {  	v3 =	vor.u32 v3, v4  }
0xa6: {  	v4 =	vperm.xlane v3, v0;
	_ =	sdelay $0x1  }
0xa7: {  	v3 =	vperm.xlane v3, v2;
	v4 =	vadd.s32 v1, v4;
	_ =	sdelay $0x1  }
0xa8: {  	v3 =	vadd.s32 v1, v3;
	_ =	sdelay $0x2  }
0xa9: {  	[tilespmem:s25], [sflag:$0x1] =	stream.indirect_vreg.gather [hbm4b:s1+s3], $0x80, v4, vm0, $0xb8;
	[tilespmem:$0x10100] =	vst v63  }
0xaa: {  	_ = 	snop  }
0xab: {  	[tilespmem:s26], [sflag:$0x1] =	stream.indirect_vreg.gather [hbm4b:s1+s3], $0x80, v3, vm0, $0xb8;
	[tilespmem:$0x10100] =	vst v63  }
0xac: {  	v3 =	vld [tilespmem:$0xE0];
	_ =	sdelay $0x4  }
0xad: {  	v62 =	vshll.u32 v3, $0x1  }
0xae: {  	v3 =	vand.u32 $0x7, v3;
	v4 =	vand.u32 $0xFFFFFFF0, v62  }
0xaf: {  	v3 =	vor.u32 v3, v4  }
0xb0: {  	v4 =	vperm.xlane v3, v0;
	_ =	sdelay $0x1  }
0xb1: {  	v3 =	vperm.xlane v3, v2;
	v4 =	vadd.s32 v1, v4;
	_ =	sdelay $0x1  }
0xb2: {  	v3 =	vadd.s32 v1, v3;
	_ =	sdelay $0x2  }
0xb3: {  	[tilespmem:s28], [sflag:$0x1] =	stream.indirect_vreg.gather [hbm4b:s1+s3], $0x80, v4, vm0, $0xb8;
	[tilespmem:$0x10100] =	vst v63  }
0xb4: {  	_ = 	snop  }
0xb5: {  	[tilespmem:s29], [sflag:$0x1] =	stream.indirect_vreg.gather [hbm4b:s1+s3], $0x80, v3, vm0, $0xb8;
	[tilespmem:$0x10100] =	vst v63  }
0xb6: {  	v3 =	vld [tilespmem:$0xF0];
	_ =	sdelay $0x4  }
0xb7: {  	v63 =	vshll.u32 v3, $0x1  }
0xb8: {  	v3 =	vand.u32 $0x7, v3;
	v4 =	vand.u32 $0xFFFFFFF0, v63  }
0xb9: {  	v3 =	vor.u32 v3, v4  }
0xba: {  	v4 =	vperm.xlane v3, v0;
	_ =	sdelay $0x1  }
0xbb: {  	v3 =	vperm.xlane v3, v2;
	v4 =	vadd.s32 v1, v4;
	_ =	sdelay $0x1  }
0xbc: {  	v3 =	vadd.s32 v1, v3;
	_ =	sdelay $0x2  }
0xbd: {  	[tilespmem:s30], [sflag:$0x1] =	stream.indirect_vreg.gather [hbm4b:s1+s3], $0x80, v4, vm0, $0xb8;
	[tilespmem:$0x10100] =	vst v63  }
0xbe: {  	_ = 	snop  }
0xbf: {  	[tilespmem:s31], [sflag:$0x1] =	stream.indirect_vreg.gather [hbm4b:s1+s3], $0x80, v3, vm0, $0xb8;
	[tilespmem:$0x10100] =	vst v63  }
0xc0: {  	_ =	swait.ge [sflag:s2], $0x10000  }
0xc1: {  	p0 =	sne.s32 s4, $0x1;
	[sflag:s2] =	ssyncset.done $0x0  }
.Ltmp0:
0xc2: {  	s7 =	rddreg [dreg:$0x5];
	[sflag:s2] =	ssyncadd.s32 $0xFFFF0000;
	(pc) =	sbr.rel @p0 .LBB2_1-.Ltmp0, $4  }
0xc3: {  	[hbm4b:s7+s3] =	stream.linear.scatter [tilespmem:s6], [sflag:$0x2], $0x10000, $0x38;
	[tilespmem:$0x10100] =	vst v63  }
0xc4: {  	_ =	swait.ge [sflag:s5], $0x10000  }
0xc5: {  	[sflag:s5] =	ssyncset.done $0x0  }
0xc6: {  	s4 =	sadd.s32 $0xFFFFFFFF, s4;
	[sflag:s5] =	ssyncadd.s32 $0xFFFF0000  }
0xc7: {  	_ =	sfence.sel $0x180000  }
0xc8: {  	[bflag:$0x0] =	sbarrier.arrive $0xFFFF  }
0xc9: {  	_ =	strace $0x90000047  }
0xca: {  	s0 =	stileid.u32;
	[bflag:$0x2] =	sbarrier.arrive $0xFFFF  }
0xcb: {  	p0 =	sne.s32 s0, $0x0;
	s0 =	rddreg [dreg:$0x3]  }
0xcc: {  	s0 =	sadd.s32 @!p0 $0x100000, s0  }
0xcd: {  	[sflag:s0] =	ssyncadd.tile.s32 @!p0 $0x1;
	_ =	shalt  }
.Lfunc_end2:
_tile_overlayer_lowered:
.L_overlay_start_2:
0xce: {  	(tag) =	ssettag $0x2  }
0xcf: {  	s0 =	rddreg [dreg:$0x0];
	s2 =	stileid.u32  }
0xd0: {  	s1 =	rddreg [dreg:$0x1];
	p0 =	sne.s32 s2, $0x0  }
0xd1: {  	s3 =	rddreg [dreg:$0x2];
	[bflag:$0x3] =	sbarrier.arrive $0xFFFF;
	s2 =	simm.s32 @!p0 $0x1C02  }
0xd2: {  	[timem:s3], [sflag:s2] =	dma.local @!p0 [hbm:s0], s1  }
0xd3: {  	s0 =	simm.s32 @!p0 $0x2  }
0xd4: {  	_ =	swait.ge @!p0 [sflag:s0], s1  }
0xd5: {  	s1 =	ssub.s32 @!p0 $0x0, s1;
	[sflag:s0] =	ssyncset.done @!p0 $0x0  }
0xd6: {  	[sflag:s0] =	ssyncadd.s32 @!p0 s1  }
0xd7: {  	[bflag:$0x3] =	sbarrier.arrive $0xFFFF  }
0xd8: {  	_ =	shalt  }

</sc_bundles>
